<compile_context>
chip_gen: v7x
topology: tpu7x:2x2x1
jax: 0.10.2.dev20260603
libtpu: 0.0.44.dev20260713+nightly
codegen_flags: <defaults>
</compile_context>

<pallas_src>
import jax
import jax.numpy as jnp
from jax import lax
from jax.experimental import pallas as pl
from jax.experimental.pallas import tpu as pltpu
from jax.experimental.pallas import tpu_sc as plsc

NUM_CLUSTERS = 1000000
Z_N = 16
B, L = 4096, 200

NC, NS = 2, 16
NW = NC * NS
BW = B // NW
RG = 4
NG = BW // RG
GSZ = RG * L
SPANS = ((0, 128), (128, 72))


def _gather_body(x_hbm, tab_hbm, out, idx_v, buf, sem):
    wid = lax.axis_index("s") * NC + lax.axis_index("c")
    row0 = wid * BW
    pltpu.sync_copy(x_hbm.at[pl.ds(row0 * L, BW * L)], idx_v)

    def fire(g, b):
        descs = []
        for jr in range(RG):
            r = g * RG + jr
            for c, w in SPANS:
                src_idx = idx_v.at[pl.ds(r * L + c, w)]
                dst = pl.ds(b * GSZ + jr * L + c, w)
                descs.append(
                    pltpu.async_copy(tab_hbm.at[src_idx], buf.at[dst], sem))
        return descs

    def drain(g, b, descs):
        for d in descs:
            d.wait()
        out_sl = pl.ds((row0 + g * RG) * L, GSZ)
        pltpu.sync_copy(buf.at[pl.ds(b * GSZ, GSZ)],
                        out.at[out_sl, pl.ds(0, Z_N)])

    def pair(gg, carry):
        g0 = gg * 2
        d0 = fire(g0, 0)
        d1 = fire(g0 + 1, 1)
        drain(g0, 0, d0)
        drain(g0 + 1, 1, d1)
        return carry

    lax.fori_loop(0, NG // 2, pair, 0)


def _make_gather():
    mesh = plsc.VectorSubcoreMesh(core_axis_name="c", subcore_axis_name="s")
    return pl.kernel(
        _gather_body,
        out_type=jax.ShapeDtypeStruct((B * L, 128), jnp.float32),
        mesh=mesh,
        compiler_params=pltpu.CompilerParams(use_tc_tiling_on_sc=False),
        scratch_types=[
            pltpu.VMEM((BW * L,), jnp.int32),
            pltpu.VMEM((2 * GSZ, Z_N), jnp.float32),
            pltpu.SemaphoreType.DMA,
        ],
    )


def kernel(x, embed_mu, embed_logvar):
    x1 = x.reshape(B * L)
    mu_p = _make_gather()(x1, embed_mu)
    lv_p = _make_gather()(x1, embed_logvar)
    mu = mu_p.reshape(B, L, 128)[:, :, :Z_N]
    logvar = lv_p.reshape(B, L, 128)[:, :, :Z_N]
    return (mu, mu, logvar)

# --- scband reference (transcript-rebuilt; emitter-appended) ---
"""Pipeline reference for scband-mini-vae-80822694576385 (READ-ONLY COPY).

The authoritative reference and input builder live on the scoring server;
editing this copy changes nothing except your own understanding.
"""

import jax, jax.numpy as jnp
import numpy as np

NUM_CLUSTERS = 1000000
Z_N = 16
B, L = 4096, 200


def setup_inputs(seed: int = 0) -> dict:
    key = jax.random.key(seed)
    k1, k2, k3 = jax.random.split(key, 3)
    x = jax.random.randint(k1, (B, L), 0, NUM_CLUSTERS, dtype=jnp.int64) if jax.config.read('jax_enable_x64') else jax.random.randint(k1, (B, L), 0, NUM_CLUSTERS, dtype=jnp.int32)
    embed_mu = jax.random.normal(k2, (NUM_CLUSTERS, Z_N), dtype=jnp.float32)
    embed_logvar = jax.random.normal(k3, (NUM_CLUSTERS, Z_N), dtype=jnp.float32)
    return {"x": x, "embed_mu": embed_mu, "embed_logvar": embed_logvar}


def reference(x, embed_mu, embed_logvar):
    # encode: x = x.long(); mu = embed_mu(x); logvar = embed_logvar(x)
    xi = x.astype(jnp.int32)
    mu = jnp.take(embed_mu, xi, axis=0)
    logvar = jnp.take(embed_logvar, xi, axis=0)
    # eval mode (module not training): z = z_mu
    z = mu
    return (z, mu, logvar)

if __name__ == "__main__":
    import jax
    _d = setup_inputs()
    print(jax.jit(kernel)(*tuple(_d.values())))

</pallas_src>

<mosaic_0001>
#map = affine_map<(d0, d1) -> (0)>
#map1 = affine_map<(d0, d1) -> (0, 0)>
module attributes {stable_mosaic.version = 14 : i64} {
  func.func @_gather_body(%arg0: i32, %arg1: i32, %arg2: memref<819200xi32, #tpu.memory_space<hbm>>, %arg3: memref<1000000x16xf32, #tpu.memory_space<hbm>>, %arg4: memref<819200x128xf32, #tpu.memory_space<hbm>>, %arg5: memref<25600xi32, #tpu.memory_space<vmem>>, %arg6: memref<1600x16xf32, #tpu.memory_space<vmem>>, %arg7: memref<!tpu.dma_semaphore, #tpu.memory_space<semaphore_mem>>) attributes {dimension_semantics = [#tpu.dimension_semantics<core_parallel>, #tpu.dimension_semantics<subcore_parallel>], iteration_bounds = array<i64: 2, 16>, scalar_prefetch = 0 : i64, scratch_operands = 3 : i64, tpu.core_type = #tpu.core_type<sc_vector_subcore>, window_params = [{transform_indices = #map}, {transform_indices = #map1}, {transform_indices = #map1}]} {
    %mul3A = arith.constant 2 : i32
    %mul3A_0 = arith.muli %arg1, %mul3A : i32
    %add3A = arith.addi %mul3A_0, %arg0 : i32
    %mul3A_1 = arith.constant 128 : i32
    %mul3A_2 = arith.muli %add3A, %mul3A_1 : i32
    %mul3A_3 = arith.constant 200 : i32
    %mul3A_4 = arith.muli %mul3A_2, %mul3A_3 : i32
    "tpu.region"() ({
      %run_scoped3A = tpu.sem_alloc : memref<!tpu.dma_semaphore, #tpu.memory_space<semaphore_mem>>
      %dma_start3A = tpu.memref_slice %arg2[%mul3A_4] : memref<819200xi32, #tpu.memory_space<hbm>> -> memref<25600xi32, #tpu.memory_space<hbm>>
      %dma_start3A_10 = tpu.memref_slice %arg2[%mul3A_4] : memref<819200xi32, #tpu.memory_space<hbm>> -> memref<25600xi32, #tpu.memory_space<hbm>>
      tpu.enqueue_dma source(%dma_start3A_10 : memref<25600xi32, #tpu.memory_space<hbm>>) target(%arg5 : memref<25600xi32, #tpu.memory_space<vmem>>) target_semaphore(%run_scoped3A : memref<!tpu.dma_semaphore, #tpu.memory_space<semaphore_mem>>)
      %dma_wait3A = tpu.memref_slice %arg2[%mul3A_4] : memref<819200xi32, #tpu.memory_space<hbm>> -> memref<25600xi32, #tpu.memory_space<hbm>>
      %dma_wait3A_11 = tpu.memref_slice %arg2[%mul3A_4] : memref<819200xi32, #tpu.memory_space<hbm>> -> memref<25600xi32, #tpu.memory_space<hbm>>
      tpu.wait_dma2 semaphore(%run_scoped3A : memref<!tpu.dma_semaphore, #tpu.memory_space<semaphore_mem>>) src(%dma_wait3A_11 : memref<25600xi32, #tpu.memory_space<hbm>>) dst(%arg5 : memref<25600xi32, #tpu.memory_space<vmem>>)
      tpu.yield
    }) : () -> ()
    %scan3A = arith.constant 0 : i32
    %scan3A_5 = arith.constant 0 : i32
    %scan3A_6 = arith.constant 16 : i32
    %scan3A_7 = arith.addi %scan3A_5, %scan3A_6 : i32
    %scan3A_8 = arith.constant 1 : i32
    scf.for %scan3A_10 = %scan3A_5 to %scan3A_7 step %scan3A_8  : i32 {
      %mul3A_11 = arith.constant 2 : i32
      %mul3A_12 = arith.muli %scan3A_10, %mul3A_11 : i32
      %mul3A_13 = arith.constant 4 : i32
      %mul3A_14 = arith.muli %mul3A_12, %mul3A_13 : i32
      %add3A_15 = arith.constant 0 : i32
      %add3A_16 = arith.addi %mul3A_14, %add3A_15 : i32
      %mul3A_17 = arith.constant 200 : i32
      %mul3A_18 = arith.muli %add3A_16, %mul3A_17 : i32
      %add3A_19 = arith.constant 0 : i32
      %add3A_20 = arith.addi %mul3A_18, %add3A_19 : i32
      %dma_start3A = arith.constant 0 : i32
      %dma_start3A_21 = arith.constant 0 : i32
      %dma_start3A_22 = tpu.memref_slice %arg6[%dma_start3A, %dma_start3A_21] : memref<1600x16xf32, #tpu.memory_space<vmem>> -> memref<128x16xf32, #tpu.memory_space<vmem>>
      %dma_start3A_23 = tpu.memref_slice %arg5[%add3A_20] : memref<25600xi32, #tpu.memory_space<vmem>> -> memref<128xi32, #tpu.memory_space<vmem>>
      %dma_start3A_24 = arith.constant 0 : i32
      %dma_start3A_25 = arith.constant 0 : i32
      %dma_start3A_26 = tpu.memref_slice %arg3[%dma_start3A_24, %dma_start3A_25] : memref<1000000x16xf32, #tpu.memory_space<hbm>> -> memref<1000000x16xf32, #tpu.memory_space<hbm>>
      tpu.enqueue_indirect_dma source(%dma_start3A_26 : memref<1000000x16xf32, #tpu.memory_space<hbm>>) target(%dma_start3A_22 : memref<128x16xf32, #tpu.memory_space<vmem>>) offsets(%dma_start3A_23 : memref<128xi32, #tpu.memory_space<vmem>>) semaphore(%arg7 : memref<!tpu.dma_semaphore, #tpu.memory_space<semaphore_mem>>)
      %mul3A_27 = arith.constant 200 : i32
      %mul3A_28 = arith.muli %add3A_16, %mul3A_27 : i32
      %add3A_29 = arith.constant 128 : i32
      %add3A_30 = arith.addi %mul3A_28, %add3A_29 : i32
      %dma_start3A_31 = arith.constant 128 : i32
      %dma_start3A_32 = arith.constant 0 : i32
      %dma_start3A_33 = tpu.memref_slice %arg6[%dma_start3A_31, %dma_start3A_32] : memref<1600x16xf32, #tpu.memory_space<vmem>> -> memref<72x16xf32, #tpu.memory_space<vmem>>
      %dma_start3A_34 = tpu.memref_slice %arg5[%add3A_30] : memref<25600xi32, #tpu.memory_space<vmem>> -> memref<72xi32, #tpu.memory_space<vmem>>
      %dma_start3A_35 = arith.constant 0 : i32
      %dma_start3A_36 = arith.constant 0 : i32
      %dma_start3A_37 = tpu.memref_slice %arg3[%dma_start3A_35, %dma_start3A_36] : memref<1000000x16xf32, #tpu.memory_space<hbm>> -> memref<1000000x16xf32, #tpu.memory_space<hbm>>
      tpu.enqueue_indirect_dma source(%dma_start3A_37 : memref<1000000x16xf32, #tpu.memory_space<hbm>>) target(%dma_start3A_33 : memref<72x16xf32, #tpu.memory_space<vmem>>) offsets(%dma_start3A_34 : memref<72xi32, #tpu.memory_space<vmem>>) semaphore(%arg7 : memref<!tpu.dma_semaphore, #tpu.memory_space<semaphore_mem>>)
      %mul3A_38 = arith.constant 4 : i32
      %mul3A_39 = arith.muli %mul3A_12, %mul3A_38 : i32
      %add3A_40 = arith.constant 1 : i32
      %add3A_41 = arith.addi %mul3A_39, %add3A_40 : i32
      %mul3A_42 = arith.constant 200 : i32
      %mul3A_43 = arith.muli %add3A_41, %mul3A_42 : i32
      %add3A_44 = arith.constant 0 : i32
      %add3A_45 = arith.addi %mul3A_43, %add3A_44 : i32
      %dma_start3A_46 = arith.constant 200 : i32
      %dma_start3A_47 = arith.constant 0 : i32
      %dma_start3A_48 = tpu.memref_slice %arg6[%dma_start3A_46, %dma_start3A_47] : memref<1600x16xf32, #tpu.memory_space<vmem>> -> memref<128x16xf32, #tpu.memory_space<vmem>>
      %dma_start3A_49 = tpu.memref_slice %arg5[%add3A_45] : memref<25600xi32, #tpu.memory_space<vmem>> -> memref<128xi32, #tpu.memory_space<vmem>>
      %dma_start3A_50 = arith.constant 0 : i32
      %dma_start3A_51 = arith.constant 0 : i32
      %dma_start3A_52 = tpu.memref_slice %arg3[%dma_start3A_50, %dma_start3A_51] : memref<1000000x16xf32, #tpu.memory_space<hbm>> -> memref<1000000x16xf32, #tpu.memory_space<hbm>>
      tpu.enqueue_indirect_dma source(%dma_start3A_52 : memref<1000000x16xf32, #tpu.memory_space<hbm>>) target(%dma_start3A_48 : memref<128x16xf32, #tpu.memory_space<vmem>>) offsets(%dma_start3A_49 : memref<128xi32, #tpu.memory_space<vmem>>) semaphore(%arg7 : memref<!tpu.dma_semaphore, #tpu.memory_space<semaphore_mem>>)
      %mul3A_53 = arith.constant 200 : i32
      %mul3A_54 = arith.muli %add3A_41, %mul3A_53 : i32
      %add3A_55 = arith.constant 128 : i32
      %add3A_56 = arith.addi %mul3A_54, %add3A_55 : i32
      %dma_start3A_57 = arith.constant 328 : i32
      %dma_start3A_58 = arith.constant 0 : i32
      %dma_start3A_59 = tpu.memref_slice %arg6[%dma_start3A_57, %dma_start3A_58] : memref<1600x16xf32, #tpu.memory_space<vmem>> -> memref<72x16xf32, #tpu.memory_space<vmem>>
      %dma_start3A_60 = tpu.memref_slice %arg5[%add3A_56] : memref<25600xi32, #tpu.memory_space<vmem>> -> memref<72xi32, #tpu.memory_space<vmem>>
      %dma_start3A_61 = arith.constant 0 : i32
      %dma_start3A_62 = arith.constant 0 : i32
      %dma_start3A_63 = tpu.memref_slice %arg3[%dma_start3A_61, %dma_start3A_62] : memref<1000000x16xf32, #tpu.memory_space<hbm>> -> memref<1000000x16xf32, #tpu.memory_space<hbm>>
      tpu.enqueue_indirect_dma source(%dma_start3A_63 : memref<1000000x16xf32, #tpu.memory_space<hbm>>) target(%dma_start3A_59 : memref<72x16xf32, #tpu.memory_space<vmem>>) offsets(%dma_start3A_60 : memref<72xi32, #tpu.memory_space<vmem>>) semaphore(%arg7 : memref<!tpu.dma_semaphore, #tpu.memory_space<semaphore_mem>>)
      %mul3A_64 = arith.constant 4 : i32
      %mul3A_65 = arith.muli %mul3A_12, %mul3A_64 : i32
      %add3A_66 = arith.constant 2 : i32
      %add3A_67 = arith.addi %mul3A_65, %add3A_66 : i32
      %mul3A_68 = arith.constant 200 : i32
      %mul3A_69 = arith.muli %add3A_67, %mul3A_68 : i32
      %add3A_70 = arith.constant 0 : i32
      %add3A_71 = arith.addi %mul3A_69, %add3A_70 : i32
      %dma_start3A_72 = arith.constant 400 : i32
      %dma_start3A_73 = arith.constant 0 : i32
      %dma_start3A_74 = tpu.memref_slice %arg6[%dma_start3A_72, %dma_start3A_73] : memref<1600x16xf32, #tpu.memory_space<vmem>> -> memref<128x16xf32, #tpu.memory_space<vmem>>
      %dma_start3A_75 = tpu.memref_slice %arg5[%add3A_71] : memref<25600xi32, #tpu.memory_space<vmem>> -> memref<128xi32, #tpu.memory_space<vmem>>
      %dma_start3A_76 = arith.constant 0 : i32
      %dma_start3A_77 = arith.constant 0 : i32
      %dma_start3A_78 = tpu.memref_slice %arg3[%dma_start3A_76, %dma_start3A_77] : memref<1000000x16xf32, #tpu.memory_space<hbm>> -> memref<1000000x16xf32, #tpu.memory_space<hbm>>
      tpu.enqueue_indirect_dma source(%dma_start3A_78 : memref<1000000x16xf32, #tpu.memory_space<hbm>>) target(%dma_start3A_74 : memref<128x16xf32, #tpu.memory_space<vmem>>) offsets(%dma_start3A_75 : memref<128xi32, #tpu.memory_space<vmem>>) semaphore(%arg7 : memref<!tpu.dma_semaphore, #tpu.memory_space<semaphore_mem>>)
      %mul3A_79 = arith.constant 200 : i32
      %mul3A_80 = arith.muli %add3A_67, %mul3A_79 : i32
      %add3A_81 = arith.constant 128 : i32
      %add3A_82 = arith.addi %mul3A_80, %add3A_81 : i32
      %dma_start3A_83 = arith.constant 528 : i32
      %dma_start3A_84 = arith.constant 0 : i32
      %dma_start3A_85 = tpu.memref_slice %arg6[%dma_start3A_83, %dma_start3A_84] : memref<1600x16xf32, #tpu.memory_space<vmem>> -> memref<72x16xf32, #tpu.memory_space<vmem>>
      %dma_start3A_86 = tpu.memref_slice %arg5[%add3A_82] : memref<25600xi32, #tpu.memory_space<vmem>> -> memref<72xi32, #tpu.memory_space<vmem>>
      %dma_start3A_87 = arith.constant 0 : i32
      %dma_start3A_88 = arith.constant 0 : i32
      %dma_start3A_89 = tpu.memref_slice %arg3[%dma_start3A_87, %dma_start3A_88] : memref<1000000x16xf32, #tpu.memory_space<hbm>> -> memref<1000000x16xf32, #tpu.memory_space<hbm>>
      tpu.enqueue_indirect_dma source(%dma_start3A_89 : memref<1000000x16xf32, #tpu.memory_space<hbm>>) target(%dma_start3A_85 : memref<72x16xf32, #tpu.memory_space<vmem>>) offsets(%dma_start3A_86 : memref<72xi32, #tpu.memory_space<vmem>>) semaphore(%arg7 : memref<!tpu.dma_semaphore, #tpu.memory_space<semaphore_mem>>)
      %mul3A_90 = arith.constant 4 : i32
      %mul3A_91 = arith.muli %mul3A_12, %mul3A_90 : i32
      %add3A_92 = arith.constant 3 : i32
      %add3A_93 = arith.addi %mul3A_91, %add3A_92 : i32
      %mul3A_94 = arith.constant 200 : i32
      %mul3A_95 = arith.muli %add3A_93, %mul3A_94 : i32
      %add3A_96 = arith.constant 0 : i32
      %add3A_97 = arith.addi %mul3A_95, %add3A_96 : i32
      %dma_start3A_98 = arith.constant 600 : i32
      %dma_start3A_99 = arith.constant 0 : i32
      %dma_start3A_100 = tpu.memref_slice %arg6[%dma_start3A_98, %dma_start3A_99] : memref<1600x16xf32, #tpu.memory_space<vmem>> -> memref<128x16xf32, #tpu.memory_space<vmem>>
      %dma_start3A_101 = tpu.memref_slice %arg5[%add3A_97] : memref<25600xi32, #tpu.memory_space<vmem>> -> memref<128xi32, #tpu.memory_space<vmem>>
      %dma_start3A_102 = arith.constant 0 : i32
      %dma_start3A_103 = arith.constant 0 : i32
      %dma_start3A_104 = tpu.memref_slice %arg3[%dma_start3A_102, %dma_start3A_103] : memref<1000000x16xf32, #tpu.memory_space<hbm>> -> memref<1000000x16xf32, #tpu.memory_space<hbm>>
      tpu.enqueue_indirect_dma source(%dma_start3A_104 : memref<1000000x16xf32, #tpu.memory_space<hbm>>) target(%dma_start3A_100 : memref<128x16xf32, #tpu.memory_space<vmem>>) offsets(%dma_start3A_101 : memref<128xi32, #tpu.memory_space<vmem>>) semaphore(%arg7 : memref<!tpu.dma_semaphore, #tpu.memory_space<semaphore_mem>>)
      %mul3A_105 = arith.constant 200 : i32
      %mul3A_106 = arith.muli %add3A_93, %mul3A_105 : i32
      %add3A_107 = arith.constant 128 : i32
      %add3A_108 = arith.addi %mul3A_106, %add3A_107 : i32
      %dma_start3A_109 = arith.constant 728 : i32
      %dma_start3A_110 = arith.constant 0 : i32
      %dma_start3A_111 = tpu.memref_slice %arg6[%dma_start3A_109, %dma_start3A_110] : memref<1600x16xf32, #tpu.memory_space<vmem>> -> memref<72x16xf32, #tpu.memory_space<vmem>>
      %dma_start3A_112 = tpu.memref_slice %arg5[%add3A_108] : memref<25600xi32, #tpu.memory_space<vmem>> -> memref<72xi32, #tpu.memory_space<vmem>>
      %dma_start3A_113 = arith.constant 0 : i32
      %dma_start3A_114 = arith.constant 0 : i32
      %dma_start3A_115 = tpu.memref_slice %arg3[%dma_start3A_113, %dma_start3A_114] : memref<1000000x16xf32, #tpu.memory_space<hbm>> -> memref<1000000x16xf32, #tpu.memory_space<hbm>>
      tpu.enqueue_indirect_dma source(%dma_start3A_115 : memref<1000000x16xf32, #tpu.memory_space<hbm>>) target(%dma_start3A_111 : memref<72x16xf32, #tpu.memory_space<vmem>>) offsets(%dma_start3A_112 : memref<72xi32, #tpu.memory_space<vmem>>) semaphore(%arg7 : memref<!tpu.dma_semaphore, #tpu.memory_space<semaphore_mem>>)
      %add3A_116 = arith.constant 1 : i32
      %add3A_117 = arith.addi %mul3A_12, %add3A_116 : i32
      %mul3A_118 = arith.constant 4 : i32
      %mul3A_119 = arith.muli %add3A_117, %mul3A_118 : i32
      %add3A_120 = arith.constant 0 : i32
      %add3A_121 = arith.addi %mul3A_119, %add3A_120 : i32
      %mul3A_122 = arith.constant 200 : i32
      %mul3A_123 = arith.muli %add3A_121, %mul3A_122 : i32
      %add3A_124 = arith.constant 0 : i32
      %add3A_125 = arith.addi %mul3A_123, %add3A_124 : i32
      %dma_start3A_126 = arith.constant 800 : i32
      %dma_start3A_127 = arith.constant 0 : i32
      %dma_start3A_128 = tpu.memref_slice %arg6[%dma_start3A_126, %dma_start3A_127] : memref<1600x16xf32, #tpu.memory_space<vmem>> -> memref<128x16xf32, #tpu.memory_space<vmem>>
      %dma_start3A_129 = tpu.memref_slice %arg5[%add3A_125] : memref<25600xi32, #tpu.memory_space<vmem>> -> memref<128xi32, #tpu.memory_space<vmem>>
      %dma_start3A_130 = arith.constant 0 : i32
      %dma_start3A_131 = arith.constant 0 : i32
      %dma_start3A_132 = tpu.memref_slice %arg3[%dma_start3A_130, %dma_start3A_131] : memref<1000000x16xf32, #tpu.memory_space<hbm>> -> memref<1000000x16xf32, #tpu.memory_space<hbm>>
      tpu.enqueue_indirect_dma source(%dma_start3A_132 : memref<1000000x16xf32, #tpu.memory_space<hbm>>) target(%dma_start3A_128 : memref<128x16xf32, #tpu.memory_space<vmem>>) offsets(%dma_start3A_129 : memref<128xi32, #tpu.memory_space<vmem>>) semaphore(%arg7 : memref<!tpu.dma_semaphore, #tpu.memory_space<semaphore_mem>>)
      %mul3A_133 = arith.constant 200 : i32
      %mul3A_134 = arith.muli %add3A_121, %mul3A_133 : i32
      %add3A_135 = arith.constant 128 : i32
      %add3A_136 = arith.addi %mul3A_134, %add3A_135 : i32
      %dma_start3A_137 = arith.constant 928 : i32
      %dma_start3A_138 = arith.constant 0 : i32
      %dma_start3A_139 = tpu.memref_slice %arg6[%dma_start3A_137, %dma_start3A_138] : memref<1600x16xf32, #tpu.memory_space<vmem>> -> memref<72x16xf32, #tpu.memory_space<vmem>>
      %dma_start3A_140 = tpu.memref_slice %arg5[%add3A_136] : memref<25600xi32, #tpu.memory_space<vmem>> -> memref<72xi32, #tpu.memory_space<vmem>>
      %dma_start3A_141 = arith.constant 0 : i32
      %dma_start3A_142 = arith.constant 0 : i32
      %dma_start3A_143 = tpu.memref_slice %arg3[%dma_start3A_141, %dma_start3A_142] : memref<1000000x16xf32, #tpu.memory_space<hbm>> -> memref<1000000x16xf32, #tpu.memory_space<hbm>>
      tpu.enqueue_indirect_dma source(%dma_start3A_143 : memref<1000000x16xf32, #tpu.memory_space<hbm>>) target(%dma_start3A_139 : memref<72x16xf32, #tpu.memory_space<vmem>>) offsets(%dma_start3A_140 : memref<72xi32, #tpu.memory_space<vmem>>) semaphore(%arg7 : memref<!tpu.dma_semaphore, #tpu.memory_space<semaphore_mem>>)
      %mul3A_144 = arith.constant 4 : i32
      %mul3A_145 = arith.muli %add3A_117, %mul3A_144 : i32
      %add3A_146 = arith.constant 1 : i32
      %add3A_147 = arith.addi %mul3A_145, %add3A_146 : i32
      %mul3A_148 = arith.constant 200 : i32
      %mul3A_149 = arith.muli %add3A_147, %mul3A_148 : i32
      %add3A_150 = arith.constant 0 : i32
      %add3A_151 = arith.addi %mul3A_149, %add3A_150 : i32
      %dma_start3A_152 = arith.constant 1000 : i32
      %dma_start3A_153 = arith.constant 0 : i32
      %dma_start3A_154 = tpu.memref_slice %arg6[%dma_start3A_152, %dma_start3A_153] : memref<1600x16xf32, #tpu.memory_space<vmem>> -> memref<128x16xf32, #tpu.memory_space<vmem>>
      %dma_start3A_155 = tpu.memref_slice %arg5[%add3A_151] : memref<25600xi32, #tpu.memory_space<vmem>> -> memref<128xi32, #tpu.memory_space<vmem>>
      %dma_start3A_156 = arith.constant 0 : i32
      %dma_start3A_157 = arith.constant 0 : i32
      %dma_start3A_158 = tpu.memref_slice %arg3[%dma_start3A_156, %dma_start3A_157] : memref<1000000x16xf32, #tpu.memory_space<hbm>> -> memref<1000000x16xf32, #tpu.memory_space<hbm>>
      tpu.enqueue_indirect_dma source(%dma_start3A_158 : memref<1000000x16xf32, #tpu.memory_space<hbm>>) target(%dma_start3A_154 : memref<128x16xf32, #tpu.memory_space<vmem>>) offsets(%dma_start3A_155 : memref<128xi32, #tpu.memory_space<vmem>>) semaphore(%arg7 : memref<!tpu.dma_semaphore, #tpu.memory_space<semaphore_mem>>)
      %mul3A_159 = arith.constant 200 : i32
      %mul3A_160 = arith.muli %add3A_147, %mul3A_159 : i32
      %add3A_161 = arith.constant 128 : i32
      %add3A_162 = arith.addi %mul3A_160, %add3A_161 : i32
      %dma_start3A_163 = arith.constant 1128 : i32
      %dma_start3A_164 = arith.constant 0 : i32
      %dma_start3A_165 = tpu.memref_slice %arg6[%dma_start3A_163, %dma_start3A_164] : memref<1600x16xf32, #tpu.memory_space<vmem>> -> memref<72x16xf32, #tpu.memory_space<vmem>>
      %dma_start3A_166 = tpu.memref_slice %arg5[%add3A_162] : memref<25600xi32, #tpu.memory_space<vmem>> -> memref<72xi32, #tpu.memory_space<vmem>>
      %dma_start3A_167 = arith.constant 0 : i32
      %dma_start3A_168 = arith.constant 0 : i32
      %dma_start3A_169 = tpu.memref_slice %arg3[%dma_start3A_167, %dma_start3A_168] : memref<1000000x16xf32, #tpu.memory_space<hbm>> -> memref<1000000x16xf32, #tpu.memory_space<hbm>>
      tpu.enqueue_indirect_dma source(%dma_start3A_169 : memref<1000000x16xf32, #tpu.memory_space<hbm>>) target(%dma_start3A_165 : memref<72x16xf32, #tpu.memory_space<vmem>>) offsets(%dma_start3A_166 : memref<72xi32, #tpu.memory_space<vmem>>) semaphore(%arg7 : memref<!tpu.dma_semaphore, #tpu.memory_space<semaphore_mem>>)
      %mul3A_170 = arith.constant 4 : i32
      %mul3A_171 = arith.muli %add3A_117, %mul3A_170 : i32
      %add3A_172 = arith.constant 2 : i32
      %add3A_173 = arith.addi %mul3A_171, %add3A_172 : i32
      %mul3A_174 = arith.constant 200 : i32
      %mul3A_175 = arith.muli %add3A_173, %mul3A_174 : i32
      %add3A_176 = arith.constant 0 : i32
      %add3A_177 = arith.addi %mul3A_175, %add3A_176 : i32
      %dma_start3A_178 = arith.constant 1200 : i32
      %dma_start3A_179 = arith.constant 0 : i32
      %dma_start3A_180 = tpu.memref_slice %arg6[%dma_start3A_178, %dma_start3A_179] : memref<1600x16xf32, #tpu.memory_space<vmem>> -> memref<128x16xf32, #tpu.memory_space<vmem>>
      %dma_start3A_181 = tpu.memref_slice %arg5[%add3A_177] : memref<25600xi32, #tpu.memory_space<vmem>> -> memref<128xi32, #tpu.memory_space<vmem>>
      %dma_start3A_182 = arith.constant 0 : i32
      %dma_start3A_183 = arith.constant 0 : i32
      %dma_start3A_184 = tpu.memref_slice %arg3[%dma_start3A_182, %dma_start3A_183] : memref<1000000x16xf32, #tpu.memory_space<hbm>> -> memref<1000000x16xf32, #tpu.memory_space<hbm>>
      tpu.enqueue_indirect_dma source(%dma_start3A_184 : memref<1000000x16xf32, #tpu.memory_space<hbm>>) target(%dma_start3A_180 : memref<128x16xf32, #tpu.memory_space<vmem>>) offsets(%dma_start3A_181 : memref<128xi32, #tpu.memory_space<vmem>>) semaphore(%arg7 : memref<!tpu.dma_semaphore, #tpu.memory_space<semaphore_mem>>)
      %mul3A_185 = arith.constant 200 : i32
      %mul3A_186 = arith.muli %add3A_173, %mul3A_185 : i32
      %add3A_187 = arith.constant 128 : i32
      %add3A_188 = arith.addi %mul3A_186, %add3A_187 : i32
      %dma_start3A_189 = arith.constant 1328 : i32
      %dma_start3A_190 = arith.constant 0 : i32
      %dma_start3A_191 = tpu.memref_slice %arg6[%dma_start3A_189, %dma_start3A_190] : memref<1600x16xf32, #tpu.memory_space<vmem>> -> memref<72x16xf32, #tpu.memory_space<vmem>>
      %dma_start3A_192 = tpu.memref_slice %arg5[%add3A_188] : memref<25600xi32, #tpu.memory_space<vmem>> -> memref<72xi32, #tpu.memory_space<vmem>>
      %dma_start3A_193 = arith.constant 0 : i32
      %dma_start3A_194 = arith.constant 0 : i32
      %dma_start3A_195 = tpu.memref_slice %arg3[%dma_start3A_193, %dma_start3A_194] : memref<1000000x16xf32, #tpu.memory_space<hbm>> -> memref<1000000x16xf32, #tpu.memory_space<hbm>>
      tpu.enqueue_indirect_dma source(%dma_start3A_195 : memref<1000000x16xf32, #tpu.memory_space<hbm>>) target(%dma_start3A_191 : memref<72x16xf32, #tpu.memory_space<vmem>>) offsets(%dma_start3A_192 : memref<72xi32, #tpu.memory_space<vmem>>) semaphore(%arg7 : memref<!tpu.dma_semaphore, #tpu.memory_space<semaphore_mem>>)
      %mul3A_196 = arith.constant 4 : i32
      %mul3A_197 = arith.muli %add3A_117, %mul3A_196 : i32
      %add3A_198 = arith.constant 3 : i32
      %add3A_199 = arith.addi %mul3A_197, %add3A_198 : i32
      %mul3A_200 = arith.constant 200 : i32
      %mul3A_201 = arith.muli %add3A_199, %mul3A_200 : i32
      %add3A_202 = arith.constant 0 : i32
      %add3A_203 = arith.addi %mul3A_201, %add3A_202 : i32
      %dma_start3A_204 = arith.constant 1400 : i32
      %dma_start3A_205 = arith.constant 0 : i32
      %dma_start3A_206 = tpu.memref_slice %arg6[%dma_start3A_204, %dma_start3A_205] : memref<1600x16xf32, #tpu.memory_space<vmem>> -> memref<128x16xf32, #tpu.memory_space<vmem>>
      %dma_start3A_207 = tpu.memref_slice %arg5[%add3A_203] : memref<25600xi32, #tpu.memory_space<vmem>> -> memref<128xi32, #tpu.memory_space<vmem>>
      %dma_start3A_208 = arith.constant 0 : i32
      %dma_start3A_209 = arith.constant 0 : i32
      %dma_start3A_210 = tpu.memref_slice %arg3[%dma_start3A_208, %dma_start3A_209] : memref<1000000x16xf32, #tpu.memory_space<hbm>> -> memref<1000000x16xf32, #tpu.memory_space<hbm>>
      tpu.enqueue_indirect_dma source(%dma_start3A_210 : memref<1000000x16xf32, #tpu.memory_space<hbm>>) target(%dma_start3A_206 : memref<128x16xf32, #tpu.memory_space<vmem>>) offsets(%dma_start3A_207 : memref<128xi32, #tpu.memory_space<vmem>>) semaphore(%arg7 : memref<!tpu.dma_semaphore, #tpu.memory_space<semaphore_mem>>)
      %mul3A_211 = arith.constant 200 : i32
      %mul3A_212 = arith.muli %add3A_199, %mul3A_211 : i32
      %add3A_213 = arith.constant 128 : i32
      %add3A_214 = arith.addi %mul3A_212, %add3A_213 : i32
      %dma_start3A_215 = arith.constant 1528 : i32
      %dma_start3A_216 = arith.constant 0 : i32
      %dma_start3A_217 = tpu.memref_slice %arg6[%dma_start3A_215, %dma_start3A_216] : memref<1600x16xf32, #tpu.memory_space<vmem>> -> memref<72x16xf32, #tpu.memory_space<vmem>>
      %dma_start3A_218 = tpu.memref_slice %arg5[%add3A_214] : memref<25600xi32, #tpu.memory_space<vmem>> -> memref<72xi32, #tpu.memory_space<vmem>>
      %dma_start3A_219 = arith.constant 0 : i32
      %dma_start3A_220 = arith.constant 0 : i32
      %dma_start3A_221 = tpu.memref_slice %arg3[%dma_start3A_219, %dma_start3A_220] : memref<1000000x16xf32, #tpu.memory_space<hbm>> -> memref<1000000x16xf32, #tpu.memory_space<hbm>>
      tpu.enqueue_indirect_dma source(%dma_start3A_221 : memref<1000000x16xf32, #tpu.memory_space<hbm>>) target(%dma_start3A_217 : memref<72x16xf32, #tpu.memory_space<vmem>>) offsets(%dma_start3A_218 : memref<72xi32, #tpu.memory_space<vmem>>) semaphore(%arg7 : memref<!tpu.dma_semaphore, #tpu.memory_space<semaphore_mem>>)
      %dma_wait3A = arith.constant 0 : i32
      %dma_wait3A_222 = arith.constant 0 : i32
      %dma_wait3A_223 = tpu.memref_slice %arg6[%dma_wait3A, %dma_wait3A_222] : memref<1600x16xf32, #tpu.memory_space<vmem>> -> memref<128x16xf32, #tpu.memory_space<vmem>>
      %dma_wait3A_224 = tpu.memref_slice %arg5[%add3A_20] : memref<25600xi32, #tpu.memory_space<vmem>> -> memref<128xi32, #tpu.memory_space<vmem>>
      %dma_wait3A_225 = arith.constant 0 : i32
      %dma_wait3A_226 = arith.constant 0 : i32
      %dma_wait3A_227 = tpu.memref_slice %arg3[%dma_wait3A_225, %dma_wait3A_226] : memref<1000000x16xf32, #tpu.memory_space<hbm>> -> memref<1000000x16xf32, #tpu.memory_space<hbm>>
      tpu.wait_indirect_dma semaphore(%arg7 : memref<!tpu.dma_semaphore, #tpu.memory_space<semaphore_mem>>) src(%dma_wait3A_227 : memref<1000000x16xf32, #tpu.memory_space<hbm>>) dst(%dma_wait3A_223 : memref<128x16xf32, #tpu.memory_space<vmem>>)
      %dma_wait3A_228 = arith.constant 128 : i32
      %dma_wait3A_229 = arith.constant 0 : i32
      %dma_wait3A_230 = tpu.memref_slice %arg6[%dma_wait3A_228, %dma_wait3A_229] : memref<1600x16xf32, #tpu.memory_space<vmem>> -> memref<72x16xf32, #tpu.memory_space<vmem>>
      %dma_wait3A_231 = tpu.memref_slice %arg5[%add3A_30] : memref<25600xi32, #tpu.memory_space<vmem>> -> memref<72xi32, #tpu.memory_space<vmem>>
      %dma_wait3A_232 = arith.constant 0 : i32
      %dma_wait3A_233 = arith.constant 0 : i32
      %dma_wait3A_234 = tpu.memref_slice %arg3[%dma_wait3A_232, %dma_wait3A_233] : memref<1000000x16xf32, #tpu.memory_space<hbm>> -> memref<1000000x16xf32, #tpu.memory_space<hbm>>
      tpu.wait_indirect_dma semaphore(%arg7 : memref<!tpu.dma_semaphore, #tpu.memory_space<semaphore_mem>>) src(%dma_wait3A_234 : memref<1000000x16xf32, #tpu.memory_space<hbm>>) dst(%dma_wait3A_230 : memref<72x16xf32, #tpu.memory_space<vmem>>)
      %dma_wait3A_235 = arith.constant 200 : i32
      %dma_wait3A_236 = arith.constant 0 : i32
      %dma_wait3A_237 = tpu.memref_slice %arg6[%dma_wait3A_235, %dma_wait3A_236] : memref<1600x16xf32, #tpu.memory_space<vmem>> -> memref<128x16xf32, #tpu.memory_space<vmem>>
      %dma_wait3A_238 = tpu.memref_slice %arg5[%add3A_45] : memref<25600xi32, #tpu.memory_space<vmem>> -> memref<128xi32, #tpu.memory_space<vmem>>
      %dma_wait3A_239 = arith.constant 0 : i32
      %dma_wait3A_240 = arith.constant 0 : i32
      %dma_wait3A_241 = tpu.memref_slice %arg3[%dma_wait3A_239, %dma_wait3A_240] : memref<1000000x16xf32, #tpu.memory_space<hbm>> -> memref<1000000x16xf32, #tpu.memory_space<hbm>>
      tpu.wait_indirect_dma semaphore(%arg7 : memref<!tpu.dma_semaphore, #tpu.memory_space<semaphore_mem>>) src(%dma_wait3A_241 : memref<1000000x16xf32, #tpu.memory_space<hbm>>) dst(%dma_wait3A_237 : memref<128x16xf32, #tpu.memory_space<vmem>>)
      %dma_wait3A_242 = arith.constant 328 : i32
      %dma_wait3A_243 = arith.constant 0 : i32
      %dma_wait3A_244 = tpu.memref_slice %arg6[%dma_wait3A_242, %dma_wait3A_243] : memref<1600x16xf32, #tpu.memory_space<vmem>> -> memref<72x16xf32, #tpu.memory_space<vmem>>
      %dma_wait3A_245 = tpu.memref_slice %arg5[%add3A_56] : memref<25600xi32, #tpu.memory_space<vmem>> -> memref<72xi32, #tpu.memory_space<vmem>>
      %dma_wait3A_246 = arith.constant 0 : i32
      %dma_wait3A_247 = arith.constant 0 : i32
      %dma_wait3A_248 = tpu.memref_slice %arg3[%dma_wait3A_246, %dma_wait3A_247] : memref<1000000x16xf32, #tpu.memory_space<hbm>> -> memref<1000000x16xf32, #tpu.memory_space<hbm>>
      tpu.wait_indirect_dma semaphore(%arg7 : memref<!tpu.dma_semaphore, #tpu.memory_space<semaphore_mem>>) src(%dma_wait3A_248 : memref<1000000x16xf32, #tpu.memory_space<hbm>>) dst(%dma_wait3A_244 : memref<72x16xf32, #tpu.memory_space<vmem>>)
      %dma_wait3A_249 = arith.constant 400 : i32
      %dma_wait3A_250 = arith.constant 0 : i32
      %dma_wait3A_251 = tpu.memref_slice %arg6[%dma_wait3A_249, %dma_wait3A_250] : memref<1600x16xf32, #tpu.memory_space<vmem>> -> memref<128x16xf32, #tpu.memory_space<vmem>>
      %dma_wait3A_252 = tpu.memref_slice %arg5[%add3A_71] : memref<25600xi32, #tpu.memory_space<vmem>> -> memref<128xi32, #tpu.memory_space<vmem>>
      %dma_wait3A_253 = arith.constant 0 : i32
      %dma_wait3A_254 = arith.constant 0 : i32
      %dma_wait3A_255 = tpu.memref_slice %arg3[%dma_wait3A_253, %dma_wait3A_254] : memref<1000000x16xf32, #tpu.memory_space<hbm>> -> memref<1000000x16xf32, #tpu.memory_space<hbm>>
      tpu.wait_indirect_dma semaphore(%arg7 : memref<!tpu.dma_semaphore, #tpu.memory_space<semaphore_mem>>) src(%dma_wait3A_255 : memref<1000000x16xf32, #tpu.memory_space<hbm>>) dst(%dma_wait3A_251 : memref<128x16xf32, #tpu.memory_space<vmem>>)
      %dma_wait3A_256 = arith.constant 528 : i32
      %dma_wait3A_257 = arith.constant 0 : i32
      %dma_wait3A_258 = tpu.memref_slice %arg6[%dma_wait3A_256, %dma_wait3A_257] : memref<1600x16xf32, #tpu.memory_space<vmem>> -> memref<72x16xf32, #tpu.memory_space<vmem>>
      %dma_wait3A_259 = tpu.memref_slice %arg5[%add3A_82] : memref<25600xi32, #tpu.memory_space<vmem>> -> memref<72xi32, #tpu.memory_space<vmem>>
      %dma_wait3A_260 = arith.constant 0 : i32
      %dma_wait3A_261 = arith.constant 0 : i32
      %dma_wait3A_262 = tpu.memref_slice %arg3[%dma_wait3A_260, %dma_wait3A_261] : memref<1000000x16xf32, #tpu.memory_space<hbm>> -> memref<1000000x16xf32, #tpu.memory_space<hbm>>
      tpu.wait_indirect_dma semaphore(%arg7 : memref<!tpu.dma_semaphore, #tpu.memory_space<semaphore_mem>>) src(%dma_wait3A_262 : memref<1000000x16xf32, #tpu.memory_space<hbm>>) dst(%dma_wait3A_258 : memref<72x16xf32, #tpu.memory_space<vmem>>)
      %dma_wait3A_263 = arith.constant 600 : i32
      %dma_wait3A_264 = arith.constant 0 : i32
      %dma_wait3A_265 = tpu.memref_slice %arg6[%dma_wait3A_263, %dma_wait3A_264] : memref<1600x16xf32, #tpu.memory_space<vmem>> -> memref<128x16xf32, #tpu.memory_space<vmem>>
      %dma_wait3A_266 = tpu.memref_slice %arg5[%add3A_97] : memref<25600xi32, #tpu.memory_space<vmem>> -> memref<128xi32, #tpu.memory_space<vmem>>
      %dma_wait3A_267 = arith.constant 0 : i32
      %dma_wait3A_268 = arith.constant 0 : i32
      %dma_wait3A_269 = tpu.memref_slice %arg3[%dma_wait3A_267, %dma_wait3A_268] : memref<1000000x16xf32, #tpu.memory_space<hbm>> -> memref<1000000x16xf32, #tpu.memory_space<hbm>>
      tpu.wait_indirect_dma semaphore(%arg7 : memref<!tpu.dma_semaphore, #tpu.memory_space<semaphore_mem>>) src(%dma_wait3A_269 : memref<1000000x16xf32, #tpu.memory_space<hbm>>) dst(%dma_wait3A_265 : memref<128x16xf32, #tpu.memory_space<vmem>>)
      %dma_wait3A_270 = arith.constant 728 : i32
      %dma_wait3A_271 = arith.constant 0 : i32
      %dma_wait3A_272 = tpu.memref_slice %arg6[%dma_wait3A_270, %dma_wait3A_271] : memref<1600x16xf32, #tpu.memory_space<vmem>> -> memref<72x16xf32, #tpu.memory_space<vmem>>
      %dma_wait3A_273 = tpu.memref_slice %arg5[%add3A_108] : memref<25600xi32, #tpu.memory_space<vmem>> -> memref<72xi32, #tpu.memory_space<vmem>>
      %dma_wait3A_274 = arith.constant 0 : i32
      %dma_wait3A_275 = arith.constant 0 : i32
      %dma_wait3A_276 = tpu.memref_slice %arg3[%dma_wait3A_274, %dma_wait3A_275] : memref<1000000x16xf32, #tpu.memory_space<hbm>> -> memref<1000000x16xf32, #tpu.memory_space<hbm>>
      tpu.wait_indirect_dma semaphore(%arg7 : memref<!tpu.dma_semaphore, #tpu.memory_space<semaphore_mem>>) src(%dma_wait3A_276 : memref<1000000x16xf32, #tpu.memory_space<hbm>>) dst(%dma_wait3A_272 : memref<72x16xf32, #tpu.memory_space<vmem>>)
      %mul3A_277 = arith.constant 4 : i32
      %mul3A_278 = arith.muli %mul3A_12, %mul3A_277 : i32
      %add3A_279 = arith.addi %mul3A_2, %mul3A_278 : i32
      %mul3A_280 = arith.constant 200 : i32
      %mul3A_281 = arith.muli %add3A_279, %mul3A_280 : i32
      "tpu.region"() ({
        %run_scoped3A = tpu.sem_alloc : memref<!tpu.dma_semaphore, #tpu.memory_space<semaphore_mem>>
        %dma_start3A_345 = arith.constant 0 : i32
        %dma_start3A_346 = arith.constant 0 : i32
        %dma_start3A_347 = tpu.memref_slice %arg6[%dma_start3A_345, %dma_start3A_346] : memref<1600x16xf32, #tpu.memory_space<vmem>> -> memref<800x16xf32, #tpu.memory_space<vmem>>
        %dma_start3A_348 = arith.constant 0 : i32
        %dma_start3A_349 = tpu.memref_slice %arg4[%mul3A_281, %dma_start3A_348] : memref<819200x128xf32, #tpu.memory_space<hbm>> -> memref<800x16xf32, #tpu.memory_space<hbm>>
        %dma_start3A_350 = arith.constant 0 : i32
        %dma_start3A_351 = tpu.memref_slice %arg4[%mul3A_281, %dma_start3A_350] : memref<819200x128xf32, #tpu.memory_space<hbm>> -> memref<800x16xf32, #tpu.memory_space<hbm>>
        %dma_start3A_352 = arith.constant 0 : i32
        %dma_start3A_353 = arith.constant 0 : i32
        %dma_start3A_354 = tpu.memref_slice %arg6[%dma_start3A_352, %dma_start3A_353] : memref<1600x16xf32, #tpu.memory_space<vmem>> -> memref<800x16xf32, #tpu.memory_space<vmem>>
        tpu.enqueue_dma source(%dma_start3A_354 : memref<800x16xf32, #tpu.memory_space<vmem>>) target(%dma_start3A_351 : memref<800x16xf32, #tpu.memory_space<hbm>>) target_semaphore(%run_scoped3A : memref<!tpu.dma_semaphore, #tpu.memory_space<semaphore_mem>>)
        %dma_wait3A_355 = arith.constant 0 : i32
        %dma_wait3A_356 = arith.constant 0 : i32
        %dma_wait3A_357 = tpu.memref_slice %arg6[%dma_wait3A_355, %dma_wait3A_356] : memref<1600x16xf32, #tpu.memory_space<vmem>> -> memref<800x16xf32, #tpu.memory_space<vmem>>
        %dma_wait3A_358 = arith.constant 0 : i32
        %dma_wait3A_359 = tpu.memref_slice %arg4[%mul3A_281, %dma_wait3A_358] : memref<819200x128xf32, #tpu.memory_space<hbm>> -> memref<800x16xf32, #tpu.memory_space<hbm>>
        %dma_wait3A_360 = arith.constant 0 : i32
        %dma_wait3A_361 = tpu.memref_slice %arg4[%mul3A_281, %dma_wait3A_360] : memref<819200x128xf32, #tpu.memory_space<hbm>> -> memref<800x16xf32, #tpu.memory_space<hbm>>
        %dma_wait3A_362 = arith.constant 0 : i32
        %dma_wait3A_363 = arith.constant 0 : i32
        %dma_wait3A_364 = tpu.memref_slice %arg6[%dma_wait3A_362, %dma_wait3A_363] : memref<1600x16xf32, #tpu.memory_space<vmem>> -> memref<800x16xf32, #tpu.memory_space<vmem>>
        tpu.wait_dma2 semaphore(%run_scoped3A : memref<!tpu.dma_semaphore, #tpu.memory_space<semaphore_mem>>) src(%dma_wait3A_364 : memref<800x16xf32, #tpu.memory_space<vmem>>) dst(%dma_wait3A_361 : memref<800x16xf32, #tpu.memory_space<hbm>>)
        tpu.yield
      }) : () -> ()
      %add3A_282 = arith.constant 1 : i32
      %add3A_283 = arith.addi %mul3A_12, %add3A_282 : i32
      %dma_wait3A_284 = arith.constant 800 : i32
      %dma_wait3A_285 = arith.constant 0 : i32
      %dma_wait3A_286 = tpu.memref_slice %arg6[%dma_wait3A_284, %dma_wait3A_285] : memref<1600x16xf32, #tpu.memory_space<vmem>> -> memref<128x16xf32, #tpu.memory_space<vmem>>
      %dma_wait3A_287 = tpu.memref_slice %arg5[%add3A_125] : memref<25600xi32, #tpu.memory_space<vmem>> -> memref<128xi32, #tpu.memory_space<vmem>>
      %dma_wait3A_288 = arith.constant 0 : i32
      %dma_wait3A_289 = arith.constant 0 : i32
      %dma_wait3A_290 = tpu.memref_slice %arg3[%dma_wait3A_288, %dma_wait3A_289] : memref<1000000x16xf32, #tpu.memory_space<hbm>> -> memref<1000000x16xf32, #tpu.memory_space<hbm>>
      tpu.wait_indirect_dma semaphore(%arg7 : memref<!tpu.dma_semaphore, #tpu.memory_space<semaphore_mem>>) src(%dma_wait3A_290 : memref<1000000x16xf32, #tpu.memory_space<hbm>>) dst(%dma_wait3A_286 : memref<128x16xf32, #tpu.memory_space<vmem>>)
      %dma_wait3A_291 = arith.constant 928 : i32
      %dma_wait3A_292 = arith.constant 0 : i32
      %dma_wait3A_293 = tpu.memref_slice %arg6[%dma_wait3A_291, %dma_wait3A_292] : memref<1600x16xf32, #tpu.memory_space<vmem>> -> memref<72x16xf32, #tpu.memory_space<vmem>>
      %dma_wait3A_294 = tpu.memref_slice %arg5[%add3A_136] : memref<25600xi32, #tpu.memory_space<vmem>> -> memref<72xi32, #tpu.memory_space<vmem>>
      %dma_wait3A_295 = arith.constant 0 : i32
      %dma_wait3A_296 = arith.constant 0 : i32
      %dma_wait3A_297 = tpu.memref_slice %arg3[%dma_wait3A_295, %dma_wait3A_296] : memref<1000000x16xf32, #tpu.memory_space<hbm>> -> memref<1000000x16xf32, #tpu.memory_space<hbm>>
      tpu.wait_indirect_dma semaphore(%arg7 : memref<!tpu.dma_semaphore, #tpu.memory_space<semaphore_mem>>) src(%dma_wait3A_297 : memref<1000000x16xf32, #tpu.memory_space<hbm>>) dst(%dma_wait3A_293 : memref<72x16xf32, #tpu.memory_space<vmem>>)
      %dma_wait3A_298 = arith.constant 1000 : i32
      %dma_wait3A_299 = arith.constant 0 : i32
      %dma_wait3A_300 = tpu.memref_slice %arg6[%dma_wait3A_298, %dma_wait3A_299] : memref<1600x16xf32, #tpu.memory_space<vmem>> -> memref<128x16xf32, #tpu.memory_space<vmem>>
      %dma_wait3A_301 = tpu.memref_slice %arg5[%add3A_151] : memref<25600xi32, #tpu.memory_space<vmem>> -> memref<128xi32, #tpu.memory_space<vmem>>
      %dma_wait3A_302 = arith.constant 0 : i32
      %dma_wait3A_303 = arith.constant 0 : i32
      %dma_wait3A_304 = tpu.memref_slice %arg3[%dma_wait3A_302, %dma_wait3A_303] : memref<1000000x16xf32, #tpu.memory_space<hbm>> -> memref<1000000x16xf32, #tpu.memory_space<hbm>>
      tpu.wait_indirect_dma semaphore(%arg7 : memref<!tpu.dma_semaphore, #tpu.memory_space<semaphore_mem>>) src(%dma_wait3A_304 : memref<1000000x16xf32, #tpu.memory_space<hbm>>) dst(%dma_wait3A_300 : memref<128x16xf32, #tpu.memory_space<vmem>>)
      %dma_wait3A_305 = arith.constant 1128 : i32
      %dma_wait3A_306 = arith.constant 0 : i32
      %dma_wait3A_307 = tpu.memref_slice %arg6[%dma_wait3A_305, %dma_wait3A_306] : memref<1600x16xf32, #tpu.memory_space<vmem>> -> memref<72x16xf32, #tpu.memory_space<vmem>>
      %dma_wait3A_308 = tpu.memref_slice %arg5[%add3A_162] : memref<25600xi32, #tpu.memory_space<vmem>> -> memref<72xi32, #tpu.memory_space<vmem>>
      %dma_wait3A_309 = arith.constant 0 : i32
      %dma_wait3A_310 = arith.constant 0 : i32
      %dma_wait3A_311 = tpu.memref_slice %arg3[%dma_wait3A_309, %dma_wait3A_310] : memref<1000000x16xf32, #tpu.memory_space<hbm>> -> memref<1000000x16xf32, #tpu.memory_space<hbm>>
      tpu.wait_indirect_dma semaphore(%arg7 : memref<!tpu.dma_semaphore, #tpu.memory_space<semaphore_mem>>) src(%dma_wait3A_311 : memref<1000000x16xf32, #tpu.memory_space<hbm>>) dst(%dma_wait3A_307 : memref<72x16xf32, #tpu.memory_space<vmem>>)
      %dma_wait3A_312 = arith.constant 1200 : i32
      %dma_wait3A_313 = arith.constant 0 : i32
      %dma_wait3A_314 = tpu.memref_slice %arg6[%dma_wait3A_312, %dma_wait3A_313] : memref<1600x16xf32, #tpu.memory_space<vmem>> -> memref<128x16xf32, #tpu.memory_space<vmem>>
      %dma_wait3A_315 = tpu.memref_slice %arg5[%add3A_177] : memref<25600xi32, #tpu.memory_space<vmem>> -> memref<128xi32, #tpu.memory_space<vmem>>
      %dma_wait3A_316 = arith.constant 0 : i32
      %dma_wait3A_317 = arith.constant 0 : i32
      %dma_wait3A_318 = tpu.memref_slice %arg3[%dma_wait3A_316, %dma_wait3A_317] : memref<1000000x16xf32, #tpu.memory_space<hbm>> -> memref<1000000x16xf32, #tpu.memory_space<hbm>>
      tpu.wait_indirect_dma semaphore(%arg7 : memref<!tpu.dma_semaphore, #tpu.memory_space<semaphore_mem>>) src(%dma_wait3A_318 : memref<1000000x16xf32, #tpu.memory_space<hbm>>) dst(%dma_wait3A_314 : memref<128x16xf32, #tpu.memory_space<vmem>>)
      %dma_wait3A_319 = arith.constant 1328 : i32
      %dma_wait3A_320 = arith.constant 0 : i32
      %dma_wait3A_321 = tpu.memref_slice %arg6[%dma_wait3A_319, %dma_wait3A_320] : memref<1600x16xf32, #tpu.memory_space<vmem>> -> memref<72x16xf32, #tpu.memory_space<vmem>>
      %dma_wait3A_322 = tpu.memref_slice %arg5[%add3A_188] : memref<25600xi32, #tpu.memory_space<vmem>> -> memref<72xi32, #tpu.memory_space<vmem>>
      %dma_wait3A_323 = arith.constant 0 : i32
      %dma_wait3A_324 = arith.constant 0 : i32
      %dma_wait3A_325 = tpu.memref_slice %arg3[%dma_wait3A_323, %dma_wait3A_324] : memref<1000000x16xf32, #tpu.memory_space<hbm>> -> memref<1000000x16xf32, #tpu.memory_space<hbm>>
      tpu.wait_indirect_dma semaphore(%arg7 : memref<!tpu.dma_semaphore, #tpu.memory_space<semaphore_mem>>) src(%dma_wait3A_325 : memref<1000000x16xf32, #tpu.memory_space<hbm>>) dst(%dma_wait3A_321 : memref<72x16xf32, #tpu.memory_space<vmem>>)
      %dma_wait3A_326 = arith.constant 1400 : i32
      %dma_wait3A_327 = arith.constant 0 : i32
      %dma_wait3A_328 = tpu.memref_slice %arg6[%dma_wait3A_326, %dma_wait3A_327] : memref<1600x16xf32, #tpu.memory_space<vmem>> -> memref<128x16xf32, #tpu.memory_space<vmem>>
      %dma_wait3A_329 = tpu.memref_slice %arg5[%add3A_203] : memref<25600xi32, #tpu.memory_space<vmem>> -> memref<128xi32, #tpu.memory_space<vmem>>
      %dma_wait3A_330 = arith.constant 0 : i32
      %dma_wait3A_331 = arith.constant 0 : i32
      %dma_wait3A_332 = tpu.memref_slice %arg3[%dma_wait3A_330, %dma_wait3A_331] : memref<1000000x16xf32, #tpu.memory_space<hbm>> -> memref<1000000x16xf32, #tpu.memory_space<hbm>>
      tpu.wait_indirect_dma semaphore(%arg7 : memref<!tpu.dma_semaphore, #tpu.memory_space<semaphore_mem>>) src(%dma_wait3A_332 : memref<1000000x16xf32, #tpu.memory_space<hbm>>) dst(%dma_wait3A_328 : memref<128x16xf32, #tpu.memory_space<vmem>>)
      %dma_wait3A_333 = arith.constant 1528 : i32
      %dma_wait3A_334 = arith.constant 0 : i32
      %dma_wait3A_335 = tpu.memref_slice %arg6[%dma_wait3A_333, %dma_wait3A_334] : memref<1600x16xf32, #tpu.memory_space<vmem>> -> memref<72x16xf32, #tpu.memory_space<vmem>>
      %dma_wait3A_336 = tpu.memref_slice %arg5[%add3A_214] : memref<25600xi32, #tpu.memory_space<vmem>> -> memref<72xi32, #tpu.memory_space<vmem>>
      %dma_wait3A_337 = arith.constant 0 : i32
      %dma_wait3A_338 = arith.constant 0 : i32
      %dma_wait3A_339 = tpu.memref_slice %arg3[%dma_wait3A_337, %dma_wait3A_338] : memref<1000000x16xf32, #tpu.memory_space<hbm>> -> memref<1000000x16xf32, #tpu.memory_space<hbm>>
      tpu.wait_indirect_dma semaphore(%arg7 : memref<!tpu.dma_semaphore, #tpu.memory_space<semaphore_mem>>) src(%dma_wait3A_339 : memref<1000000x16xf32, #tpu.memory_space<hbm>>) dst(%dma_wait3A_335 : memref<72x16xf32, #tpu.memory_space<vmem>>)
      %mul3A_340 = arith.constant 4 : i32
      %mul3A_341 = arith.muli %add3A_283, %mul3A_340 : i32
      %add3A_342 = arith.addi %mul3A_2, %mul3A_341 : i32
      %mul3A_343 = arith.constant 200 : i32
      %mul3A_344 = arith.muli %add3A_342, %mul3A_343 : i32
      "tpu.region"() ({
        %run_scoped3A = tpu.sem_alloc : memref<!tpu.dma_semaphore, #tpu.memory_space<semaphore_mem>>
        %dma_start3A_345 = arith.constant 800 : i32
        %dma_start3A_346 = arith.constant 0 : i32
        %dma_start3A_347 = tpu.memref_slice %arg6[%dma_start3A_345, %dma_start3A_346] : memref<1600x16xf32, #tpu.memory_space<vmem>> -> memref<800x16xf32, #tpu.memory_space<vmem>>
        %dma_start3A_348 = arith.constant 0 : i32
        %dma_start3A_349 = tpu.memref_slice %arg4[%mul3A_344, %dma_start3A_348] : memref<819200x128xf32, #tpu.memory_space<hbm>> -> memref<800x16xf32, #tpu.memory_space<hbm>>
        %dma_start3A_350 = arith.constant 0 : i32
        %dma_start3A_351 = tpu.memref_slice %arg4[%mul3A_344, %dma_start3A_350] : memref<819200x128xf32, #tpu.memory_space<hbm>> -> memref<800x16xf32, #tpu.memory_space<hbm>>
        %dma_start3A_352 = arith.constant 800 : i32
        %dma_start3A_353 = arith.constant 0 : i32
        %dma_start3A_354 = tpu.memref_slice %arg6[%dma_start3A_352, %dma_start3A_353] : memref<1600x16xf32, #tpu.memory_space<vmem>> -> memref<800x16xf32, #tpu.memory_space<vmem>>
        tpu.enqueue_dma source(%dma_start3A_354 : memref<800x16xf32, #tpu.memory_space<vmem>>) target(%dma_start3A_351 : memref<800x16xf32, #tpu.memory_space<hbm>>) target_semaphore(%run_scoped3A : memref<!tpu.dma_semaphore, #tpu.memory_space<semaphore_mem>>)
        %dma_wait3A_355 = arith.constant 800 : i32
        %dma_wait3A_356 = arith.constant 0 : i32
        %dma_wait3A_357 = tpu.memref_slice %arg6[%dma_wait3A_355, %dma_wait3A_356] : memref<1600x16xf32, #tpu.memory_space<vmem>> -> memref<800x16xf32, #tpu.memory_space<vmem>>
        %dma_wait3A_358 = arith.constant 0 : i32
        %dma_wait3A_359 = tpu.memref_slice %arg4[%mul3A_344, %dma_wait3A_358] : memref<819200x128xf32, #tpu.memory_space<hbm>> -> memref<800x16xf32, #tpu.memory_space<hbm>>
        %dma_wait3A_360 = arith.constant 0 : i32
        %dma_wait3A_361 = tpu.memref_slice %arg4[%mul3A_344, %dma_wait3A_360] : memref<819200x128xf32, #tpu.memory_space<hbm>> -> memref<800x16xf32, #tpu.memory_space<hbm>>
        %dma_wait3A_362 = arith.constant 800 : i32
        %dma_wait3A_363 = arith.constant 0 : i32
        %dma_wait3A_364 = tpu.memref_slice %arg6[%dma_wait3A_362, %dma_wait3A_363] : memref<1600x16xf32, #tpu.memory_space<vmem>> -> memref<800x16xf32, #tpu.memory_space<vmem>>
        tpu.wait_dma2 semaphore(%run_scoped3A : memref<!tpu.dma_semaphore, #tpu.memory_space<semaphore_mem>>) src(%dma_wait3A_364 : memref<800x16xf32, #tpu.memory_space<vmem>>) dst(%dma_wait3A_361 : memref<800x16xf32, #tpu.memory_space<hbm>>)
        tpu.yield
      }) : () -> ()
    }
    %scan3A_9 = arith.constant 16 : i32
    return
  }
}

#map = affine_map<(d0, d1) -> (0)>
#map1 = affine_map<(d0, d1) -> (0, 0)>
module attributes {stable_mosaic.version = 14 : i64} {
  func.func @_gather_body(%arg0: i32, %arg1: i32, %arg2: memref<819200xi32, #tpu.memory_space<hbm>>, %arg3: memref<1000000x16xf32, #tpu.memory_space<hbm>>, %arg4: memref<819200x128xf32, #tpu.memory_space<hbm>>, %arg5: memref<25600xi32, #tpu.memory_space<vmem>>, %arg6: memref<1600x16xf32, #tpu.memory_space<vmem>>, %arg7: memref<!tpu.dma_semaphore, #tpu.memory_space<semaphore_mem>>) attributes {dimension_semantics = [#tpu.dimension_semantics<core_parallel>, #tpu.dimension_semantics<subcore_parallel>], iteration_bounds = array<i64: 2, 16>, scalar_prefetch = 0 : i64, scratch_operands = 3 : i64, tpu.core_type = #tpu.core_type<sc_vector_subcore>, window_params = [{transform_indices = #map}, {transform_indices = #map1}, {transform_indices = #map1}]} {
    %mul3A = arith.constant 2 : i32
    %mul3A_0 = arith.muli %arg1, %mul3A : i32
    %add3A = arith.addi %mul3A_0, %arg0 : i32
    %mul3A_1 = arith.constant 128 : i32
    %mul3A_2 = arith.muli %add3A, %mul3A_1 : i32
    %mul3A_3 = arith.constant 200 : i32
    %mul3A_4 = arith.muli %mul3A_2, %mul3A_3 : i32
    "tpu.region"() ({
      %run_scoped3A = tpu.sem_alloc : memref<!tpu.dma_semaphore, #tpu.memory_space<semaphore_mem>>
      %dma_start3A = tpu.memref_slice %arg2[%mul3A_4] : memref<819200xi32, #tpu.memory_space<hbm>> -> memref<25600xi32, #tpu.memory_space<hbm>>
      %dma_start3A_10 = tpu.memref_slice %arg2[%mul3A_4] : memref<819200xi32, #tpu.memory_space<hbm>> -> memref<25600xi32, #tpu.memory_space<hbm>>
      tpu.enqueue_dma source(%dma_start3A_10 : memref<25600xi32, #tpu.memory_space<hbm>>) target(%arg5 : memref<25600xi32, #tpu.memory_space<vmem>>) target_semaphore(%run_scoped3A : memref<!tpu.dma_semaphore, #tpu.memory_space<semaphore_mem>>)
      %dma_wait3A = tpu.memref_slice %arg2[%mul3A_4] : memref<819200xi32, #tpu.memory_space<hbm>> -> memref<25600xi32, #tpu.memory_space<hbm>>
      %dma_wait3A_11 = tpu.memref_slice %arg2[%mul3A_4] : memref<819200xi32, #tpu.memory_space<hbm>> -> memref<25600xi32, #tpu.memory_space<hbm>>
      tpu.wait_dma2 semaphore(%run_scoped3A : memref<!tpu.dma_semaphore, #tpu.memory_space<semaphore_mem>>) src(%dma_wait3A_11 : memref<25600xi32, #tpu.memory_space<hbm>>) dst(%arg5 : memref<25600xi32, #tpu.memory_space<vmem>>)
      tpu.yield
    }) : () -> ()
    %scan3A = arith.constant 0 : i32
    %scan3A_5 = arith.constant 0 : i32
    %scan3A_6 = arith.constant 16 : i32
    %scan3A_7 = arith.addi %scan3A_5, %scan3A_6 : i32
    %scan3A_8 = arith.constant 1 : i32
    scf.for %scan3A_10 = %scan3A_5 to %scan3A_7 step %scan3A_8  : i32 {
      %mul3A_11 = arith.constant 2 : i32
      %mul3A_12 = arith.muli %scan3A_10, %mul3A_11 : i32
      %mul3A_13 = arith.constant 4 : i32
      %mul3A_14 = arith.muli %mul3A_12, %mul3A_13 : i32
      %add3A_15 = arith.constant 0 : i32
      %add3A_16 = arith.addi %mul3A_14, %add3A_15 : i32
      %mul3A_17 = arith.constant 200 : i32
      %mul3A_18 = arith.muli %add3A_16, %mul3A_17 : i32
      %add3A_19 = arith.constant 0 : i32
      %add3A_20 = arith.addi %mul3A_18, %add3A_19 : i32
      %dma_start3A = arith.constant 0 : i32
      %dma_start3A_21 = arith.constant 0 : i32
      %dma_start3A_22 = tpu.memref_slice %arg6[%dma_start3A, %dma_start3A_21] : memref<1600x16xf32, #tpu.memory_space<vmem>> -> memref<128x16xf32, #tpu.memory_space<vmem>>
      %dma_start3A_23 = tpu.memref_slice %arg5[%add3A_20] : memref<25600xi32, #tpu.memory_space<vmem>> -> memref<128xi32, #tpu.memory_space<vmem>>
      %dma_start3A_24 = arith.constant 0 : i32
      %dma_start3A_25 = arith.constant 0 : i32
      %dma_start3A_26 = tpu.memref_slice %arg3[%dma_start3A_24, %dma_start3A_25] : memref<1000000x16xf32, #tpu.memory_space<hbm>> -> memref<1000000x16xf32, #tpu.memory_space<hbm>>
      tpu.enqueue_indirect_dma source(%dma_start3A_26 : memref<1000000x16xf32, #tpu.memory_space<hbm>>) target(%dma_start3A_22 : memref<128x16xf32, #tpu.memory_space<vmem>>) offsets(%dma_start3A_23 : memref<128xi32, #tpu.memory_space<vmem>>) semaphore(%arg7 : memref<!tpu.dma_semaphore, #tpu.memory_space<semaphore_mem>>)
      %mul3A_27 = arith.constant 200 : i32
      %mul3A_28 = arith.muli %add3A_16, %mul3A_27 : i32
      %add3A_29 = arith.constant 128 : i32
      %add3A_30 = arith.addi %mul3A_28, %add3A_29 : i32
      %dma_start3A_31 = arith.constant 128 : i32
      %dma_start3A_32 = arith.constant 0 : i32
      %dma_start3A_33 = tpu.memref_slice %arg6[%dma_start3A_31, %dma_start3A_32] : memref<1600x16xf32, #tpu.memory_space<vmem>> -> memref<72x16xf32, #tpu.memory_space<vmem>>
      %dma_start3A_34 = tpu.memref_slice %arg5[%add3A_30] : memref<25600xi32, #tpu.memory_space<vmem>> -> memref<72xi32, #tpu.memory_space<vmem>>
      %dma_start3A_35 = arith.constant 0 : i32
      %dma_start3A_36 = arith.constant 0 : i32
      %dma_start3A_37 = tpu.memref_slice %arg3[%dma_start3A_35, %dma_start3A_36] : memref<1000000x16xf32, #tpu.memory_space<hbm>> -> memref<1000000x16xf32, #tpu.memory_space<hbm>>
      tpu.enqueue_indirect_dma source(%dma_start3A_37 : memref<1000000x16xf32, #tpu.memory_space<hbm>>) target(%dma_start3A_33 : memref<72x16xf32, #tpu.memory_space<vmem>>) offsets(%dma_start3A_34 : memref<72xi32, #tpu.memory_space<vmem>>) semaphore(%arg7 : memref<!tpu.dma_semaphore, #tpu.memory_space<semaphore_mem>>)
      %mul3A_38 = arith.constant 4 : i32
      %mul3A_39 = arith.muli %mul3A_12, %mul3A_38 : i32
      %add3A_40 = arith.constant 1 : i32
      %add3A_41 = arith.addi %mul3A_39, %add3A_40 : i32
      %mul3A_42 = arith.constant 200 : i32
      %mul3A_43 = arith.muli %add3A_41, %mul3A_42 : i32
      %add3A_44 = arith.constant 0 : i32
      %add3A_45 = arith.addi %mul3A_43, %add3A_44 : i32
      %dma_start3A_46 = arith.constant 200 : i32
      %dma_start3A_47 = arith.constant 0 : i32
      %dma_start3A_48 = tpu.memref_slice %arg6[%dma_start3A_46, %dma_start3A_47] : memref<1600x16xf32, #tpu.memory_space<vmem>> -> memref<128x16xf32, #tpu.memory_space<vmem>>
      %dma_start3A_49 = tpu.memref_slice %arg5[%add3A_45] : memref<25600xi32, #tpu.memory_space<vmem>> -> memref<128xi32, #tpu.memory_space<vmem>>
      %dma_start3A_50 = arith.constant 0 : i32
      %dma_start3A_51 = arith.constant 0 : i32
      %dma_start3A_52 = tpu.memref_slice %arg3[%dma_start3A_50, %dma_start3A_51] : memref<1000000x16xf32, #tpu.memory_space<hbm>> -> memref<1000000x16xf32, #tpu.memory_space<hbm>>
      tpu.enqueue_indirect_dma source(%dma_start3A_52 : memref<1000000x16xf32, #tpu.memory_space<hbm>>) target(%dma_start3A_48 : memref<128x16xf32, #tpu.memory_space<vmem>>) offsets(%dma_start3A_49 : memref<128xi32, #tpu.memory_space<vmem>>) semaphore(%arg7 : memref<!tpu.dma_semaphore, #tpu.memory_space<semaphore_mem>>)
      %mul3A_53 = arith.constant 200 : i32
      %mul3A_54 = arith.muli %add3A_41, %mul3A_53 : i32
      %add3A_55 = arith.constant 128 : i32
      %add3A_56 = arith.addi %mul3A_54, %add3A_55 : i32
      %dma_start3A_57 = arith.constant 328 : i32
      %dma_start3A_58 = arith.constant 0 : i32
      %dma_start3A_59 = tpu.memref_slice %arg6[%dma_start3A_57, %dma_start3A_58] : memref<1600x16xf32, #tpu.memory_space<vmem>> -> memref<72x16xf32, #tpu.memory_space<vmem>>
      %dma_start3A_60 = tpu.memref_slice %arg5[%add3A_56] : memref<25600xi32, #tpu.memory_space<vmem>> -> memref<72xi32, #tpu.memory_space<vmem>>
      %dma_start3A_61 = arith.constant 0 : i32
      %dma_start3A_62 = arith.constant 0 : i32
      %dma_start3A_63 = tpu.memref_slice %arg3[%dma_start3A_61, %dma_start3A_62] : memref<1000000x16xf32, #tpu.memory_space<hbm>> -> memref<1000000x16xf32, #tpu.memory_space<hbm>>
      tpu.enqueue_indirect_dma source(%dma_start3A_63 : memref<1000000x16xf32, #tpu.memory_space<hbm>>) target(%dma_start3A_59 : memref<72x16xf32, #tpu.memory_space<vmem>>) offsets(%dma_start3A_60 : memref<72xi32, #tpu.memory_space<vmem>>) semaphore(%arg7 : memref<!tpu.dma_semaphore, #tpu.memory_space<semaphore_mem>>)
      %mul3A_64 = arith.constant 4 : i32
      %mul3A_65 = arith.muli %mul3A_12, %mul3A_64 : i32
      %add3A_66 = arith.constant 2 : i32
      %add3A_67 = arith.addi %mul3A_65, %add3A_66 : i32
      %mul3A_68 = arith.constant 200 : i32
      %mul3A_69 = arith.muli %add3A_67, %mul3A_68 : i32
      %add3A_70 = arith.constant 0 : i32
      %add3A_71 = arith.addi %mul3A_69, %add3A_70 : i32
      %dma_start3A_72 = arith.constant 400 : i32
      %dma_start3A_73 = arith.constant 0 : i32
      %dma_start3A_74 = tpu.memref_slice %arg6[%dma_start3A_72, %dma_start3A_73] : memref<1600x16xf32, #tpu.memory_space<vmem>> -> memref<128x16xf32, #tpu.memory_space<vmem>>
      %dma_start3A_75 = tpu.memref_slice %arg5[%add3A_71] : memref<25600xi32, #tpu.memory_space<vmem>> -> memref<128xi32, #tpu.memory_space<vmem>>
      %dma_start3A_76 = arith.constant 0 : i32
      %dma_start3A_77 = arith.constant 0 : i32
      %dma_start3A_78 = tpu.memref_slice %arg3[%dma_start3A_76, %dma_start3A_77] : memref<1000000x16xf32, #tpu.memory_space<hbm>> -> memref<1000000x16xf32, #tpu.memory_space<hbm>>
      tpu.enqueue_indirect_dma source(%dma_start3A_78 : memref<1000000x16xf32, #tpu.memory_space<hbm>>) target(%dma_start3A_74 : memref<128x16xf32, #tpu.memory_space<vmem>>) offsets(%dma_start3A_75 : memref<128xi32, #tpu.memory_space<vmem>>) semaphore(%arg7 : memref<!tpu.dma_semaphore, #tpu.memory_space<semaphore_mem>>)
      %mul3A_79 = arith.constant 200 : i32
      %mul3A_80 = arith.muli %add3A_67, %mul3A_79 : i32
      %add3A_81 = arith.constant 128 : i32
      %add3A_82 = arith.addi %mul3A_80, %add3A_81 : i32
      %dma_start3A_83 = arith.constant 528 : i32
      %dma_start3A_84 = arith.constant 0 : i32
      %dma_start3A_85 = tpu.memref_slice %arg6[%dma_start3A_83, %dma_start3A_84] : memref<1600x16xf32, #tpu.memory_space<vmem>> -> memref<72x16xf32, #tpu.memory_space<vmem>>
      %dma_start3A_86 = tpu.memref_slice %arg5[%add3A_82] : memref<25600xi32, #tpu.memory_space<vmem>> -> memref<72xi32, #tpu.memory_space<vmem>>
      %dma_start3A_87 = arith.constant 0 : i32
      %dma_start3A_88 = arith.constant 0 : i32
      %dma_start3A_89 = tpu.memref_slice %arg3[%dma_start3A_87, %dma_start3A_88] : memref<1000000x16xf32, #tpu.memory_space<hbm>> -> memref<1000000x16xf32, #tpu.memory_space<hbm>>
      tpu.enqueue_indirect_dma source(%dma_start3A_89 : memref<1000000x16xf32, #tpu.memory_space<hbm>>) target(%dma_start3A_85 : memref<72x16xf32, #tpu.memory_space<vmem>>) offsets(%dma_start3A_86 : memref<72xi32, #tpu.memory_space<vmem>>) semaphore(%arg7 : memref<!tpu.dma_semaphore, #tpu.memory_space<semaphore_mem>>)
      %mul3A_90 = arith.constant 4 : i32
      %mul3A_91 = arith.muli %mul3A_12, %mul3A_90 : i32
      %add3A_92 = arith.constant 3 : i32
      %add3A_93 = arith.addi %mul3A_91, %add3A_92 : i32
      %mul3A_94 = arith.constant 200 : i32
      %mul3A_95 = arith.muli %add3A_93, %mul3A_94 : i32
      %add3A_96 = arith.constant 0 : i32
      %add3A_97 = arith.addi %mul3A_95, %add3A_96 : i32
      %dma_start3A_98 = arith.constant 600 : i32
      %dma_start3A_99 = arith.constant 0 : i32
      %dma_start3A_100 = tpu.memref_slice %arg6[%dma_start3A_98, %dma_start3A_99] : memref<1600x16xf32, #tpu.memory_space<vmem>> -> memref<128x16xf32, #tpu.memory_space<vmem>>
      %dma_start3A_101 = tpu.memref_slice %arg5[%add3A_97] : memref<25600xi32, #tpu.memory_space<vmem>> -> memref<128xi32, #tpu.memory_space<vmem>>
      %dma_start3A_102 = arith.constant 0 : i32
      %dma_start3A_103 = arith.constant 0 : i32
      %dma_start3A_104 = tpu.memref_slice %arg3[%dma_start3A_102, %dma_start3A_103] : memref<1000000x16xf32, #tpu.memory_space<hbm>> -> memref<1000000x16xf32, #tpu.memory_space<hbm>>
      tpu.enqueue_indirect_dma source(%dma_start3A_104 : memref<1000000x16xf32, #tpu.memory_space<hbm>>) target(%dma_start3A_100 : memref<128x16xf32, #tpu.memory_space<vmem>>) offsets(%dma_start3A_101 : memref<128xi32, #tpu.memory_space<vmem>>) semaphore(%arg7 : memref<!tpu.dma_semaphore, #tpu.memory_space<semaphore_mem>>)
      %mul3A_105 = arith.constant 200 : i32
      %mul3A_106 = arith.muli %add3A_93, %mul3A_105 : i32
      %add3A_107 = arith.constant 128 : i32
      %add3A_108 = arith.addi %mul3A_106, %add3A_107 : i32
      %dma_start3A_109 = arith.constant 728 : i32
      %dma_start3A_110 = arith.constant 0 : i32
      %dma_start3A_111 = tpu.memref_slice %arg6[%dma_start3A_109, %dma_start3A_110] : memref<1600x16xf32, #tpu.memory_space<vmem>> -> memref<72x16xf32, #tpu.memory_space<vmem>>
      %dma_start3A_112 = tpu.memref_slice %arg5[%add3A_108] : memref<25600xi32, #tpu.memory_space<vmem>> -> memref<72xi32, #tpu.memory_space<vmem>>
      %dma_start3A_113 = arith.constant 0 : i32
      %dma_start3A_114 = arith.constant 0 : i32
      %dma_start3A_115 = tpu.memref_slice %arg3[%dma_start3A_113, %dma_start3A_114] : memref<1000000x16xf32, #tpu.memory_space<hbm>> -> memref<1000000x16xf32, #tpu.memory_space<hbm>>
      tpu.enqueue_indirect_dma source(%dma_start3A_115 : memref<1000000x16xf32, #tpu.memory_space<hbm>>) target(%dma_start3A_111 : memref<72x16xf32, #tpu.memory_space<vmem>>) offsets(%dma_start3A_112 : memref<72xi32, #tpu.memory_space<vmem>>) semaphore(%arg7 : memref<!tpu.dma_semaphore, #tpu.memory_space<semaphore_mem>>)
      %add3A_116 = arith.constant 1 : i32
      %add3A_117 = arith.addi %mul3A_12, %add3A_116 : i32
      %mul3A_118 = arith.constant 4 : i32
      %mul3A_119 = arith.muli %add3A_117, %mul3A_118 : i32
      %add3A_120 = arith.constant 0 : i32
      %add3A_121 = arith.addi %mul3A_119, %add3A_120 : i32
      %mul3A_122 = arith.constant 200 : i32
      %mul3A_123 = arith.muli %add3A_121, %mul3A_122 : i32
      %add3A_124 = arith.constant 0 : i32
      %add3A_125 = arith.addi %mul3A_123, %add3A_124 : i32
      %dma_start3A_126 = arith.constant 800 : i32
      %dma_start3A_127 = arith.constant 0 : i32
      %dma_start3A_128 = tpu.memref_slice %arg6[%dma_start3A_126, %dma_start3A_127] : memref<1600x16xf32, #tpu.memory_space<vmem>> -> memref<128x16xf32, #tpu.memory_space<vmem>>
      %dma_start3A_129 = tpu.memref_slice %arg5[%add3A_125] : memref<25600xi32, #tpu.memory_space<vmem>> -> memref<128xi32, #tpu.memory_space<vmem>>
      %dma_start3A_130 = arith.constant 0 : i32
      %dma_start3A_131 = arith.constant 0 : i32
      %dma_start3A_132 = tpu.memref_slice %arg3[%dma_start3A_130, %dma_start3A_131] : memref<1000000x16xf32, #tpu.memory_space<hbm>> -> memref<1000000x16xf32, #tpu.memory_space<hbm>>
      tpu.enqueue_indirect_dma source(%dma_start3A_132 : memref<1000000x16xf32, #tpu.memory_space<hbm>>) target(%dma_start3A_128 : memref<128x16xf32, #tpu.memory_space<vmem>>) offsets(%dma_start3A_129 : memref<128xi32, #tpu.memory_space<vmem>>) semaphore(%arg7 : memref<!tpu.dma_semaphore, #tpu.memory_space<semaphore_mem>>)
      %mul3A_133 = arith.constant 200 : i32
      %mul3A_134 = arith.muli %add3A_121, %mul3A_133 : i32
      %add3A_135 = arith.constant 128 : i32
      %add3A_136 = arith.addi %mul3A_134, %add3A_135 : i32
      %dma_start3A_137 = arith.constant 928 : i32
      %dma_start3A_138 = arith.constant 0 : i32
      %dma_start3A_139 = tpu.memref_slice %arg6[%dma_start3A_137, %dma_start3A_138] : memref<1600x16xf32, #tpu.memory_space<vmem>> -> memref<72x16xf32, #tpu.memory_space<vmem>>
      %dma_start3A_140 = tpu.memref_slice %arg5[%add3A_136] : memref<25600xi32, #tpu.memory_space<vmem>> -> memref<72xi32, #tpu.memory_space<vmem>>
      %dma_start3A_141 = arith.constant 0 : i32
      %dma_start3A_142 = arith.constant 0 : i32
      %dma_start3A_143 = tpu.memref_slice %arg3[%dma_start3A_141, %dma_start3A_142] : memref<1000000x16xf32, #tpu.memory_space<hbm>> -> memref<1000000x16xf32, #tpu.memory_space<hbm>>
      tpu.enqueue_indirect_dma source(%dma_start3A_143 : memref<1000000x16xf32, #tpu.memory_space<hbm>>) target(%dma_start3A_139 : memref<72x16xf32, #tpu.memory_space<vmem>>) offsets(%dma_start3A_140 : memref<72xi32, #tpu.memory_space<vmem>>) semaphore(%arg7 : memref<!tpu.dma_semaphore, #tpu.memory_space<semaphore_mem>>)
      %mul3A_144 = arith.constant 4 : i32
      %mul3A_145 = arith.muli %add3A_117, %mul3A_144 : i32
      %add3A_146 = arith.constant 1 : i32
      %add3A_147 = arith.addi %mul3A_145, %add3A_146 : i32
      %mul3A_148 = arith.constant 200 : i32
      %mul3A_149 = arith.muli %add3A_147, %mul3A_148 : i32
      %add3A_150 = arith.constant 0 : i32
      %add3A_151 = arith.addi %mul3A_149, %add3A_150 : i32
      %dma_start3A_152 = arith.constant 1000 : i32
      %dma_start3A_153 = arith.constant 0 : i32
      %dma_start3A_154 = tpu.memref_slice %arg6[%dma_start3A_152, %dma_start3A_153] : memref<1600x16xf32, #tpu.memory_space<vmem>> -> memref<128x16xf32, #tpu.memory_space<vmem>>
      %dma_start3A_155 = tpu.memref_slice %arg5[%add3A_151] : memref<25600xi32, #tpu.memory_space<vmem>> -> memref<128xi32, #tpu.memory_space<vmem>>
      %dma_start3A_156 = arith.constant 0 : i32
      %dma_start3A_157 = arith.constant 0 : i32
      %dma_start3A_158 = tpu.memref_slice %arg3[%dma_start3A_156, %dma_start3A_157] : memref<1000000x16xf32, #tpu.memory_space<hbm>> -> memref<1000000x16xf32, #tpu.memory_space<hbm>>
      tpu.enqueue_indirect_dma source(%dma_start3A_158 : memref<1000000x16xf32, #tpu.memory_space<hbm>>) target(%dma_start3A_154 : memref<128x16xf32, #tpu.memory_space<vmem>>) offsets(%dma_start3A_155 : memref<128xi32, #tpu.memory_space<vmem>>) semaphore(%arg7 : memref<!tpu.dma_semaphore, #tpu.memory_space<semaphore_mem>>)
      %mul3A_159 = arith.constant 200 : i32
      %mul3A_160 = arith.muli %add3A_147, %mul3A_159 : i32
      %add3A_161 = arith.constant 128 : i32
      %add3A_162 = arith.addi %mul3A_160, %add3A_161 : i32
      %dma_start3A_163 = arith.constant 1128 : i32
      %dma_start3A_164 = arith.constant 0 : i32
      %dma_start3A_165 = tpu.memref_slice %arg6[%dma_start3A_163, %dma_start3A_164] : memref<1600x16xf32, #tpu.memory_space<vmem>> -> memref<72x16xf32, #tpu.memory_space<vmem>>
      %dma_start3A_166 = tpu.memref_slice %arg5[%add3A_162] : memref<25600xi32, #tpu.memory_space<vmem>> -> memref<72xi32, #tpu.memory_space<vmem>>
      %dma_start3A_167 = arith.constant 0 : i32
      %dma_start3A_168 = arith.constant 0 : i32
      %dma_start3A_169 = tpu.memref_slice %arg3[%dma_start3A_167, %dma_start3A_168] : memref<1000000x16xf32, #tpu.memory_space<hbm>> -> memref<1000000x16xf32, #tpu.memory_space<hbm>>
      tpu.enqueue_indirect_dma source(%dma_start3A_169 : memref<1000000x16xf32, #tpu.memory_space<hbm>>) target(%dma_start3A_165 : memref<72x16xf32, #tpu.memory_space<vmem>>) offsets(%dma_start3A_166 : memref<72xi32, #tpu.memory_space<vmem>>) semaphore(%arg7 : memref<!tpu.dma_semaphore, #tpu.memory_space<semaphore_mem>>)
      %mul3A_170 = arith.constant 4 : i32
      %mul3A_171 = arith.muli %add3A_117, %mul3A_170 : i32
      %add3A_172 = arith.constant 2 : i32
      %add3A_173 = arith.addi %mul3A_171, %add3A_172 : i32
      %mul3A_174 = arith.constant 200 : i32
      %mul3A_175 = arith.muli %add3A_173, %mul3A_174 : i32
      %add3A_176 = arith.constant 0 : i32
      %add3A_177 = arith.addi %mul3A_175, %add3A_176 : i32
      %dma_start3A_178 = arith.constant 1200 : i32
      %dma_start3A_179 = arith.constant 0 : i32
      %dma_start3A_180 = tpu.memref_slice %arg6[%dma_start3A_178, %dma_start3A_179] : memref<1600x16xf32, #tpu.memory_space<vmem>> -> memref<128x16xf32, #tpu.memory_space<vmem>>
      %dma_start3A_181 = tpu.memref_slice %arg5[%add3A_177] : memref<25600xi32, #tpu.memory_space<vmem>> -> memref<128xi32, #tpu.memory_space<vmem>>
      %dma_start3A_182 = arith.constant 0 : i32
      %dma_start3A_183 = arith.constant 0 : i32
      %dma_start3A_184 = tpu.memref_slice %arg3[%dma_start3A_182, %dma_start3A_183] : memref<1000000x16xf32, #tpu.memory_space<hbm>> -> memref<1000000x16xf32, #tpu.memory_space<hbm>>
      tpu.enqueue_indirect_dma source(%dma_start3A_184 : memref<1000000x16xf32, #tpu.memory_space<hbm>>) target(%dma_start3A_180 : memref<128x16xf32, #tpu.memory_space<vmem>>) offsets(%dma_start3A_181 : memref<128xi32, #tpu.memory_space<vmem>>) semaphore(%arg7 : memref<!tpu.dma_semaphore, #tpu.memory_space<semaphore_mem>>)
      %mul3A_185 = arith.constant 200 : i32
      %mul3A_186 = arith.muli %add3A_173, %mul3A_185 : i32
      %add3A_187 = arith.constant 128 : i32
      %add3A_188 = arith.addi %mul3A_186, %add3A_187 : i32
      %dma_start3A_189 = arith.constant 1328 : i32
      %dma_start3A_190 = arith.constant 0 : i32
      %dma_start3A_191 = tpu.memref_slice %arg6[%dma_start3A_189, %dma_start3A_190] : memref<1600x16xf32, #tpu.memory_space<vmem>> -> memref<72x16xf32, #tpu.memory_space<vmem>>
      %dma_start3A_192 = tpu.memref_slice %arg5[%add3A_188] : memref<25600xi32, #tpu.memory_space<vmem>> -> memref<72xi32, #tpu.memory_space<vmem>>
      %dma_start3A_193 = arith.constant 0 : i32
      %dma_start3A_194 = arith.constant 0 : i32
      %dma_start3A_195 = tpu.memref_slice %arg3[%dma_start3A_193, %dma_start3A_194] : memref<1000000x16xf32, #tpu.memory_space<hbm>> -> memref<1000000x16xf32, #tpu.memory_space<hbm>>
      tpu.enqueue_indirect_dma source(%dma_start3A_195 : memref<1000000x16xf32, #tpu.memory_space<hbm>>) target(%dma_start3A_191 : memref<72x16xf32, #tpu.memory_space<vmem>>) offsets(%dma_start3A_192 : memref<72xi32, #tpu.memory_space<vmem>>) semaphore(%arg7 : memref<!tpu.dma_semaphore, #tpu.memory_space<semaphore_mem>>)
      %mul3A_196 = arith.constant 4 : i32
      %mul3A_197 = arith.muli %add3A_117, %mul3A_196 : i32
      %add3A_198 = arith.constant 3 : i32
      %add3A_199 = arith.addi %mul3A_197, %add3A_198 : i32
      %mul3A_200 = arith.constant 200 : i32
      %mul3A_201 = arith.muli %add3A_199, %mul3A_200 : i32
      %add3A_202 = arith.constant 0 : i32
      %add3A_203 = arith.addi %mul3A_201, %add3A_202 : i32
      %dma_start3A_204 = arith.constant 1400 : i32
      %dma_start3A_205 = arith.constant 0 : i32
      %dma_start3A_206 = tpu.memref_slice %arg6[%dma_start3A_204, %dma_start3A_205] : memref<1600x16xf32, #tpu.memory_space<vmem>> -> memref<128x16xf32, #tpu.memory_space<vmem>>
      %dma_start3A_207 = tpu.memref_slice %arg5[%add3A_203] : memref<25600xi32, #tpu.memory_space<vmem>> -> memref<128xi32, #tpu.memory_space<vmem>>
      %dma_start3A_208 = arith.constant 0 : i32
      %dma_start3A_209 = arith.constant 0 : i32
      %dma_start3A_210 = tpu.memref_slice %arg3[%dma_start3A_208, %dma_start3A_209] : memref<1000000x16xf32, #tpu.memory_space<hbm>> -> memref<1000000x16xf32, #tpu.memory_space<hbm>>
      tpu.enqueue_indirect_dma source(%dma_start3A_210 : memref<1000000x16xf32, #tpu.memory_space<hbm>>) target(%dma_start3A_206 : memref<128x16xf32, #tpu.memory_space<vmem>>) offsets(%dma_start3A_207 : memref<128xi32, #tpu.memory_space<vmem>>) semaphore(%arg7 : memref<!tpu.dma_semaphore, #tpu.memory_space<semaphore_mem>>)
      %mul3A_211 = arith.constant 200 : i32
      %mul3A_212 = arith.muli %add3A_199, %mul3A_211 : i32
      %add3A_213 = arith.constant 128 : i32
      %add3A_214 = arith.addi %mul3A_212, %add3A_213 : i32
      %dma_start3A_215 = arith.constant 1528 : i32
      %dma_start3A_216 = arith.constant 0 : i32
      %dma_start3A_217 = tpu.memref_slice %arg6[%dma_start3A_215, %dma_start3A_216] : memref<1600x16xf32, #tpu.memory_space<vmem>> -> memref<72x16xf32, #tpu.memory_space<vmem>>
      %dma_start3A_218 = tpu.memref_slice %arg5[%add3A_214] : memref<25600xi32, #tpu.memory_space<vmem>> -> memref<72xi32, #tpu.memory_space<vmem>>
      %dma_start3A_219 = arith.constant 0 : i32
      %dma_start3A_220 = arith.constant 0 : i32
      %dma_start3A_221 = tpu.memref_slice %arg3[%dma_start3A_219, %dma_start3A_220] : memref<1000000x16xf32, #tpu.memory_space<hbm>> -> memref<1000000x16xf32, #tpu.memory_space<hbm>>
      tpu.enqueue_indirect_dma source(%dma_start3A_221 : memref<1000000x16xf32, #tpu.memory_space<hbm>>) target(%dma_start3A_217 : memref<72x16xf32, #tpu.memory_space<vmem>>) offsets(%dma_start3A_218 : memref<72xi32, #tpu.memory_space<vmem>>) semaphore(%arg7 : memref<!tpu.dma_semaphore, #tpu.memory_space<semaphore_mem>>)
      %dma_wait3A = arith.constant 0 : i32
      %dma_wait3A_222 = arith.constant 0 : i32
      %dma_wait3A_223 = tpu.memref_slice %arg6[%dma_wait3A, %dma_wait3A_222] : memref<1600x16xf32, #tpu.memory_space<vmem>> -> memref<128x16xf32, #tpu.memory_space<vmem>>
      %dma_wait3A_224 = tpu.memref_slice %arg5[%add3A_20] : memref<25600xi32, #tpu.memory_space<vmem>> -> memref<128xi32, #tpu.memory_space<vmem>>
      %dma_wait3A_225 = arith.constant 0 : i32
      %dma_wait3A_226 = arith.constant 0 : i32
      %dma_wait3A_227 = tpu.memref_slice %arg3[%dma_wait3A_225, %dma_wait3A_226] : memref<1000000x16xf32, #tpu.memory_space<hbm>> -> memref<1000000x16xf32, #tpu.memory_space<hbm>>
      tpu.wait_indirect_dma semaphore(%arg7 : memref<!tpu.dma_semaphore, #tpu.memory_space<semaphore_mem>>) src(%dma_wait3A_227 : memref<1000000x16xf32, #tpu.memory_space<hbm>>) dst(%dma_wait3A_223 : memref<128x16xf32, #tpu.memory_space<vmem>>)
      %dma_wait3A_228 = arith.constant 128 : i32
      %dma_wait3A_229 = arith.constant 0 : i32
      %dma_wait3A_230 = tpu.memref_slice %arg6[%dma_wait3A_228, %dma_wait3A_229] : memref<1600x16xf32, #tpu.memory_space<vmem>> -> memref<72x16xf32, #tpu.memory_space<vmem>>
      %dma_wait3A_231 = tpu.memref_slice %arg5[%add3A_30] : memref<25600xi32, #tpu.memory_space<vmem>> -> memref<72xi32, #tpu.memory_space<vmem>>
      %dma_wait3A_232 = arith.constant 0 : i32
      %dma_wait3A_233 = arith.constant 0 : i32
      %dma_wait3A_234 = tpu.memref_slice %arg3[%dma_wait3A_232, %dma_wait3A_233] : memref<1000000x16xf32, #tpu.memory_space<hbm>> -> memref<1000000x16xf32, #tpu.memory_space<hbm>>
      tpu.wait_indirect_dma semaphore(%arg7 : memref<!tpu.dma_semaphore, #tpu.memory_space<semaphore_mem>>) src(%dma_wait3A_234 : memref<1000000x16xf32, #tpu.memory_space<hbm>>) dst(%dma_wait3A_230 : memref<72x16xf32, #tpu.memory_space<vmem>>)
      %dma_wait3A_235 = arith.constant 200 : i32
      %dma_wait3A_236 = arith.constant 0 : i32
      %dma_wait3A_237 = tpu.memref_slice %arg6[%dma_wait3A_235, %dma_wait3A_236] : memref<1600x16xf32, #tpu.memory_space<vmem>> -> memref<128x16xf32, #tpu.memory_space<vmem>>
      %dma_wait3A_238 = tpu.memref_slice %arg5[%add3A_45] : memref<25600xi32, #tpu.memory_space<vmem>> -> memref<128xi32, #tpu.memory_space<vmem>>
      %dma_wait3A_239 = arith.constant 0 : i32
      %dma_wait3A_240 = arith.constant 0 : i32
      %dma_wait3A_241 = tpu.memref_slice %arg3[%dma_wait3A_239, %dma_wait3A_240] : memref<1000000x16xf32, #tpu.memory_space<hbm>> -> memref<1000000x16xf32, #tpu.memory_space<hbm>>
      tpu.wait_indirect_dma semaphore(%arg7 : memref<!tpu.dma_semaphore, #tpu.memory_space<semaphore_mem>>) src(%dma_wait3A_241 : memref<1000000x16xf32, #tpu.memory_space<hbm>>) dst(%dma_wait3A_237 : memref<128x16xf32, #tpu.memory_space<vmem>>)
      %dma_wait3A_242 = arith.constant 328 : i32
      %dma_wait3A_243 = arith.constant 0 : i32
      %dma_wait3A_244 = tpu.memref_slice %arg6[%dma_wait3A_242, %dma_wait3A_243] : memref<1600x16xf32, #tpu.memory_space<vmem>> -> memref<72x16xf32, #tpu.memory_space<vmem>>
      %dma_wait3A_245 = tpu.memref_slice %arg5[%add3A_56] : memref<25600xi32, #tpu.memory_space<vmem>> -> memref<72xi32, #tpu.memory_space<vmem>>
      %dma_wait3A_246 = arith.constant 0 : i32
      %dma_wait3A_247 = arith.constant 0 : i32
      %dma_wait3A_248 = tpu.memref_slice %arg3[%dma_wait3A_246, %dma_wait3A_247] : memref<1000000x16xf32, #tpu.memory_space<hbm>> -> memref<1000000x16xf32, #tpu.memory_space<hbm>>
      tpu.wait_indirect_dma semaphore(%arg7 : memref<!tpu.dma_semaphore, #tpu.memory_space<semaphore_mem>>) src(%dma_wait3A_248 : memref<1000000x16xf32, #tpu.memory_space<hbm>>) dst(%dma_wait3A_244 : memref<72x16xf32, #tpu.memory_space<vmem>>)
      %dma_wait3A_249 = arith.constant 400 : i32
      %dma_wait3A_250 = arith.constant 0 : i32
      %dma_wait3A_251 = tpu.memref_slice %arg6[%dma_wait3A_249, %dma_wait3A_250] : memref<1600x16xf32, #tpu.memory_space<vmem>> -> memref<128x16xf32, #tpu.memory_space<vmem>>
      %dma_wait3A_252 = tpu.memref_slice %arg5[%add3A_71] : memref<25600xi32, #tpu.memory_space<vmem>> -> memref<128xi32, #tpu.memory_space<vmem>>
      %dma_wait3A_253 = arith.constant 0 : i32
      %dma_wait3A_254 = arith.constant 0 : i32
      %dma_wait3A_255 = tpu.memref_slice %arg3[%dma_wait3A_253, %dma_wait3A_254] : memref<1000000x16xf32, #tpu.memory_space<hbm>> -> memref<1000000x16xf32, #tpu.memory_space<hbm>>
      tpu.wait_indirect_dma semaphore(%arg7 : memref<!tpu.dma_semaphore, #tpu.memory_space<semaphore_mem>>) src(%dma_wait3A_255 : memref<1000000x16xf32, #tpu.memory_space<hbm>>) dst(%dma_wait3A_251 : memref<128x16xf32, #tpu.memory_space<vmem>>)
      %dma_wait3A_256 = arith.constant 528 : i32
      %dma_wait3A_257 = arith.constant 0 : i32
      %dma_wait3A_258 = tpu.memref_slice %arg6[%dma_wait3A_256, %dma_wait3A_257] : memref<1600x16xf32, #tpu.memory_space<vmem>> -> memref<72x16xf32, #tpu.memory_space<vmem>>
      %dma_wait3A_259 = tpu.memref_slice %arg5[%add3A_82] : memref<25600xi32, #tpu.memory_space<vmem>> -> memref<72xi32, #tpu.memory_space<vmem>>
      %dma_wait3A_260 = arith.constant 0 : i32
      %dma_wait3A_261 = arith.constant 0 : i32
      %dma_wait3A_262 = tpu.memref_slice %arg3[%dma_wait3A_260, %dma_wait3A_261] : memref<1000000x16xf32, #tpu.memory_space<hbm>> -> memref<1000000x16xf32, #tpu.memory_space<hbm>>
      tpu.wait_indirect_dma semaphore(%arg7 : memref<!tpu.dma_semaphore, #tpu.memory_space<semaphore_mem>>) src(%dma_wait3A_262 : memref<1000000x16xf32, #tpu.memory_space<hbm>>) dst(%dma_wait3A_258 : memref<72x16xf32, #tpu.memory_space<vmem>>)
      %dma_wait3A_263 = arith.constant 600 : i32
      %dma_wait3A_264 = arith.constant 0 : i32
      %dma_wait3A_265 = tpu.memref_slice %arg6[%dma_wait3A_263, %dma_wait3A_264] : memref<1600x16xf32, #tpu.memory_space<vmem>> -> memref<128x16xf32, #tpu.memory_space<vmem>>
      %dma_wait3A_266 = tpu.memref_slice %arg5[%add3A_97] : memref<25600xi32, #tpu.memory_space<vmem>> -> memref<128xi32, #tpu.memory_space<vmem>>
      %dma_wait3A_267 = arith.constant 0 : i32
      %dma_wait3A_268 = arith.constant 0 : i32
      %dma_wait3A_269 = tpu.memref_slice %arg3[%dma_wait3A_267, %dma_wait3A_268] : memref<1000000x16xf32, #tpu.memory_space<hbm>> -> memref<1000000x16xf32, #tpu.memory_space<hbm>>
      tpu.wait_indirect_dma semaphore(%arg7 : memref<!tpu.dma_semaphore, #tpu.memory_space<semaphore_mem>>) src(%dma_wait3A_269 : memref<1000000x16xf32, #tpu.memory_space<hbm>>) dst(%dma_wait3A_265 : memref<128x16xf32, #tpu.memory_space<vmem>>)
      %dma_wait3A_270 = arith.constant 728 : i32
      %dma_wait3A_271 = arith.constant 0 : i32
      %dma_wait3A_272 = tpu.memref_slice %arg6[%dma_wait3A_270, %dma_wait3A_271] : memref<1600x16xf32, #tpu.memory_space<vmem>> -> memref<72x16xf32, #tpu.memory_space<vmem>>
      %dma_wait3A_273 = tpu.memref_slice %arg5[%add3A_108] : memref<25600xi32, #tpu.memory_space<vmem>> -> memref<72xi32, #tpu.memory_space<vmem>>
      %dma_wait3A_274 = arith.constant 0 : i32
      %dma_wait3A_275 = arith.constant 0 : i32
      %dma_wait3A_276 = tpu.memref_slice %arg3[%dma_wait3A_274, %dma_wait3A_275] : memref<1000000x16xf32, #tpu.memory_space<hbm>> -> memref<1000000x16xf32, #tpu.memory_space<hbm>>
      tpu.wait_indirect_dma semaphore(%arg7 : memref<!tpu.dma_semaphore, #tpu.memory_space<semaphore_mem>>) src(%dma_wait3A_276 : memref<1000000x16xf32, #tpu.memory_space<hbm>>) dst(%dma_wait3A_272 : memref<72x16xf32, #tpu.memory_space<vmem>>)
      %mul3A_277 = arith.constant 4 : i32
      %mul3A_278 = arith.muli %mul3A_12, %mul3A_277 : i32
      %add3A_279 = arith.addi %mul3A_2, %mul3A_278 : i32
      %mul3A_280 = arith.constant 200 : i32
      %mul3A_281 = arith.muli %add3A_279, %mul3A_280 : i32
      "tpu.region"() ({
        %run_scoped3A = tpu.sem_alloc : memref<!tpu.dma_semaphore, #tpu.memory_space<semaphore_mem>>
        %dma_start3A_345 = arith.constant 0 : i32
        %dma_start3A_346 = arith.constant 0 : i32
        %dma_start3A_347 = tpu.memref_slice %arg6[%dma_start3A_345, %dma_start3A_346] : memref<1600x16xf32, #tpu.memory_space<vmem>> -> memref<800x16xf32, #tpu.memory_space<vmem>>
        %dma_start3A_348 = arith.constant 0 : i32
        %dma_start3A_349 = tpu.memref_slice %arg4[%mul3A_281, %dma_start3A_348] : memref<819200x128xf32, #tpu.memory_space<hbm>> -> memref<800x16xf32, #tpu.memory_space<hbm>>
        %dma_start3A_350 = arith.constant 0 : i32
        %dma_start3A_351 = tpu.memref_slice %arg4[%mul3A_281, %dma_start3A_350] : memref<819200x128xf32, #tpu.memory_space<hbm>> -> memref<800x16xf32, #tpu.memory_space<hbm>>
        %dma_start3A_352 = arith.constant 0 : i32
        %dma_start3A_353 = arith.constant 0 : i32
        %dma_start3A_354 = tpu.memref_slice %arg6[%dma_start3A_352, %dma_start3A_353] : memref<1600x16xf32, #tpu.memory_space<vmem>> -> memref<800x16xf32, #tpu.memory_space<vmem>>
        tpu.enqueue_dma source(%dma_start3A_354 : memref<800x16xf32, #tpu.memory_space<vmem>>) target(%dma_start3A_351 : memref<800x16xf32, #tpu.memory_space<hbm>>) target_semaphore(%run_scoped3A : memref<!tpu.dma_semaphore, #tpu.memory_space<semaphore_mem>>)
        %dma_wait3A_355 = arith.constant 0 : i32
        %dma_wait3A_356 = arith.constant 0 : i32
        %dma_wait3A_357 = tpu.memref_slice %arg6[%dma_wait3A_355, %dma_wait3A_356] : memref<1600x16xf32, #tpu.memory_space<vmem>> -> memref<800x16xf32, #tpu.memory_space<vmem>>
        %dma_wait3A_358 = arith.constant 0 : i32
        %dma_wait3A_359 = tpu.memref_slice %arg4[%mul3A_281, %dma_wait3A_358] : memref<819200x128xf32, #tpu.memory_space<hbm>> -> memref<800x16xf32, #tpu.memory_space<hbm>>
        %dma_wait3A_360 = arith.constant 0 : i32
        %dma_wait3A_361 = tpu.memref_slice %arg4[%mul3A_281, %dma_wait3A_360] : memref<819200x128xf32, #tpu.memory_space<hbm>> -> memref<800x16xf32, #tpu.memory_space<hbm>>
        %dma_wait3A_362 = arith.constant 0 : i32
        %dma_wait3A_363 = arith.constant 0 : i32
        %dma_wait3A_364 = tpu.memref_slice %arg6[%dma_wait3A_362, %dma_wait3A_363] : memref<1600x16xf32, #tpu.memory_space<vmem>> -> memref<800x16xf32, #tpu.memory_space<vmem>>
        tpu.wait_dma2 semaphore(%run_scoped3A : memref<!tpu.dma_semaphore, #tpu.memory_space<semaphore_mem>>) src(%dma_wait3A_364 : memref<800x16xf32, #tpu.memory_space<vmem>>) dst(%dma_wait3A_361 : memref<800x16xf32, #tpu.memory_space<hbm>>)
        tpu.yield
      }) : () -> ()
      %add3A_282 = arith.constant 1 : i32
      %add3A_283 = arith.addi %mul3A_12, %add3A_282 : i32
      %dma_wait3A_284 = arith.constant 800 : i32
      %dma_wait3A_285 = arith.constant 0 : i32
      %dma_wait3A_286 = tpu.memref_slice %arg6[%dma_wait3A_284, %dma_wait3A_285] : memref<1600x16xf32, #tpu.memory_space<vmem>> -> memref<128x16xf32, #tpu.memory_space<vmem>>
      %dma_wait3A_287 = tpu.memref_slice %arg5[%add3A_125] : memref<25600xi32, #tpu.memory_space<vmem>> -> memref<128xi32, #tpu.memory_space<vmem>>
      %dma_wait3A_288 = arith.constant 0 : i32
      %dma_wait3A_289 = arith.constant 0 : i32
      %dma_wait3A_290 = tpu.memref_slice %arg3[%dma_wait3A_288, %dma_wait3A_289] : memref<1000000x16xf32, #tpu.memory_space<hbm>> -> memref<1000000x16xf32, #tpu.memory_space<hbm>>
      tpu.wait_indirect_dma semaphore(%arg7 : memref<!tpu.dma_semaphore, #tpu.memory_space<semaphore_mem>>) src(%dma_wait3A_290 : memref<1000000x16xf32, #tpu.memory_space<hbm>>) dst(%dma_wait3A_286 : memref<128x16xf32, #tpu.memory_space<vmem>>)
      %dma_wait3A_291 = arith.constant 928 : i32
      %dma_wait3A_292 = arith.constant 0 : i32
      %dma_wait3A_293 = tpu.memref_slice %arg6[%dma_wait3A_291, %dma_wait3A_292] : memref<1600x16xf32, #tpu.memory_space<vmem>> -> memref<72x16xf32, #tpu.memory_space<vmem>>
      %dma_wait3A_294 = tpu.memref_slice %arg5[%add3A_136] : memref<25600xi32, #tpu.memory_space<vmem>> -> memref<72xi32, #tpu.memory_space<vmem>>
      %dma_wait3A_295 = arith.constant 0 : i32
      %dma_wait3A_296 = arith.constant 0 : i32
      %dma_wait3A_297 = tpu.memref_slice %arg3[%dma_wait3A_295, %dma_wait3A_296] : memref<1000000x16xf32, #tpu.memory_space<hbm>> -> memref<1000000x16xf32, #tpu.memory_space<hbm>>
      tpu.wait_indirect_dma semaphore(%arg7 : memref<!tpu.dma_semaphore, #tpu.memory_space<semaphore_mem>>) src(%dma_wait3A_297 : memref<1000000x16xf32, #tpu.memory_space<hbm>>) dst(%dma_wait3A_293 : memref<72x16xf32, #tpu.memory_space<vmem>>)
      %dma_wait3A_298 = arith.constant 1000 : i32
      %dma_wait3A_299 = arith.constant 0 : i32
      %dma_wait3A_300 = tpu.memref_slice %arg6[%dma_wait3A_298, %dma_wait3A_299] : memref<1600x16xf32, #tpu.memory_space<vmem>> -> memref<128x16xf32, #tpu.memory_space<vmem>>
      %dma_wait3A_301 = tpu.memref_slice %arg5[%add3A_151] : memref<25600xi32, #tpu.memory_space<vmem>> -> memref<128xi32, #tpu.memory_space<vmem>>
      %dma_wait3A_302 = arith.constant 0 : i32
      %dma_wait3A_303 = arith.constant 0 : i32
      %dma_wait3A_304 = tpu.memref_slice %arg3[%dma_wait3A_302, %dma_wait3A_303] : memref<1000000x16xf32, #tpu.memory_space<hbm>> -> memref<1000000x16xf32, #tpu.memory_space<hbm>>
      tpu.wait_indirect_dma semaphore(%arg7 : memref<!tpu.dma_semaphore, #tpu.memory_space<semaphore_mem>>) src(%dma_wait3A_304 : memref<1000000x16xf32, #tpu.memory_space<hbm>>) dst(%dma_wait3A_300 : memref<128x16xf32, #tpu.memory_space<vmem>>)
      %dma_wait3A_305 = arith.constant 1128 : i32
      %dma_wait3A_306 = arith.constant 0 : i32
      %dma_wait3A_307 = tpu.memref_slice %arg6[%dma_wait3A_305, %dma_wait3A_306] : memref<1600x16xf32, #tpu.memory_space<vmem>> -> memref<72x16xf32, #tpu.memory_space<vmem>>
      %dma_wait3A_308 = tpu.memref_slice %arg5[%add3A_162] : memref<25600xi32, #tpu.memory_space<vmem>> -> memref<72xi32, #tpu.memory_space<vmem>>
      %dma_wait3A_309 = arith.constant 0 : i32
      %dma_wait3A_310 = arith.constant 0 : i32
      %dma_wait3A_311 = tpu.memref_slice %arg3[%dma_wait3A_309, %dma_wait3A_310] : memref<1000000x16xf32, #tpu.memory_space<hbm>> -> memref<1000000x16xf32, #tpu.memory_space<hbm>>
      tpu.wait_indirect_dma semaphore(%arg7 : memref<!tpu.dma_semaphore, #tpu.memory_space<semaphore_mem>>) src(%dma_wait3A_311 : memref<1000000x16xf32, #tpu.memory_space<hbm>>) dst(%dma_wait3A_307 : memref<72x16xf32, #tpu.memory_space<vmem>>)
      %dma_wait3A_312 = arith.constant 1200 : i32
      %dma_wait3A_313 = arith.constant 0 : i32
      %dma_wait3A_314 = tpu.memref_slice %arg6[%dma_wait3A_312, %dma_wait3A_313] : memref<1600x16xf32, #tpu.memory_space<vmem>> -> memref<128x16xf32, #tpu.memory_space<vmem>>
      %dma_wait3A_315 = tpu.memref_slice %arg5[%add3A_177] : memref<25600xi32, #tpu.memory_space<vmem>> -> memref<128xi32, #tpu.memory_space<vmem>>
      %dma_wait3A_316 = arith.constant 0 : i32
      %dma_wait3A_317 = arith.constant 0 : i32
      %dma_wait3A_318 = tpu.memref_slice %arg3[%dma_wait3A_316, %dma_wait3A_317] : memref<1000000x16xf32, #tpu.memory_space<hbm>> -> memref<1000000x16xf32, #tpu.memory_space<hbm>>
      tpu.wait_indirect_dma semaphore(%arg7 : memref<!tpu.dma_semaphore, #tpu.memory_space<semaphore_mem>>) src(%dma_wait3A_318 : memref<1000000x16xf32, #tpu.memory_space<hbm>>) dst(%dma_wait3A_314 : memref<128x16xf32, #tpu.memory_space<vmem>>)
      %dma_wait3A_319 = arith.constant 1328 : i32
      %dma_wait3A_320 = arith.constant 0 : i32
      %dma_wait3A_321 = tpu.memref_slice %arg6[%dma_wait3A_319, %dma_wait3A_320] : memref<1600x16xf32, #tpu.memory_space<vmem>> -> memref<72x16xf32, #tpu.memory_space<vmem>>
      %dma_wait3A_322 = tpu.memref_slice %arg5[%add3A_188] : memref<25600xi32, #tpu.memory_space<vmem>> -> memref<72xi32, #tpu.memory_space<vmem>>
      %dma_wait3A_323 = arith.constant 0 : i32
      %dma_wait3A_324 = arith.constant 0 : i32
      %dma_wait3A_325 = tpu.memref_slice %arg3[%dma_wait3A_323, %dma_wait3A_324] : memref<1000000x16xf32, #tpu.memory_space<hbm>> -> memref<1000000x16xf32, #tpu.memory_space<hbm>>
      tpu.wait_indirect_dma semaphore(%arg7 : memref<!tpu.dma_semaphore, #tpu.memory_space<semaphore_mem>>) src(%dma_wait3A_325 : memref<1000000x16xf32, #tpu.memory_space<hbm>>) dst(%dma_wait3A_321 : memref<72x16xf32, #tpu.memory_space<vmem>>)
      %dma_wait3A_326 = arith.constant 1400 : i32
      %dma_wait3A_327 = arith.constant 0 : i32
      %dma_wait3A_328 = tpu.memref_slice %arg6[%dma_wait3A_326, %dma_wait3A_327] : memref<1600x16xf32, #tpu.memory_space<vmem>> -> memref<128x16xf32, #tpu.memory_space<vmem>>
      %dma_wait3A_329 = tpu.memref_slice %arg5[%add3A_203] : memref<25600xi32, #tpu.memory_space<vmem>> -> memref<128xi32, #tpu.memory_space<vmem>>
      %dma_wait3A_330 = arith.constant 0 : i32
      %dma_wait3A_331 = arith.constant 0 : i32
      %dma_wait3A_332 = tpu.memref_slice %arg3[%dma_wait3A_330, %dma_wait3A_331] : memref<1000000x16xf32, #tpu.memory_space<hbm>> -> memref<1000000x16xf32, #tpu.memory_space<hbm>>
      tpu.wait_indirect_dma semaphore(%arg7 : memref<!tpu.dma_semaphore, #tpu.memory_space<semaphore_mem>>) src(%dma_wait3A_332 : memref<1000000x16xf32, #tpu.memory_space<hbm>>) dst(%dma_wait3A_328 : memref<128x16xf32, #tpu.memory_space<vmem>>)
      %dma_wait3A_333 = arith.constant 1528 : i32
      %dma_wait3A_334 = arith.constant 0 : i32
      %dma_wait3A_335 = tpu.memref_slice %arg6[%dma_wait3A_333, %dma_wait3A_334] : memref<1600x16xf32, #tpu.memory_space<vmem>> -> memref<72x16xf32, #tpu.memory_space<vmem>>
      %dma_wait3A_336 = tpu.memref_slice %arg5[%add3A_214] : memref<25600xi32, #tpu.memory_space<vmem>> -> memref<72xi32, #tpu.memory_space<vmem>>
      %dma_wait3A_337 = arith.constant 0 : i32
      %dma_wait3A_338 = arith.constant 0 : i32
      %dma_wait3A_339 = tpu.memref_slice %arg3[%dma_wait3A_337, %dma_wait3A_338] : memref<1000000x16xf32, #tpu.memory_space<hbm>> -> memref<1000000x16xf32, #tpu.memory_space<hbm>>
      tpu.wait_indirect_dma semaphore(%arg7 : memref<!tpu.dma_semaphore, #tpu.memory_space<semaphore_mem>>) src(%dma_wait3A_339 : memref<1000000x16xf32, #tpu.memory_space<hbm>>) dst(%dma_wait3A_335 : memref<72x16xf32, #tpu.memory_space<vmem>>)
      %mul3A_340 = arith.constant 4 : i32
      %mul3A_341 = arith.muli %add3A_283, %mul3A_340 : i32
      %add3A_342 = arith.addi %mul3A_2, %mul3A_341 : i32
      %mul3A_343 = arith.constant 200 : i32
      %mul3A_344 = arith.muli %add3A_342, %mul3A_343 : i32
      "tpu.region"() ({
        %run_scoped3A = tpu.sem_alloc : memref<!tpu.dma_semaphore, #tpu.memory_space<semaphore_mem>>
        %dma_start3A_345 = arith.constant 800 : i32
        %dma_start3A_346 = arith.constant 0 : i32
        %dma_start3A_347 = tpu.memref_slice %arg6[%dma_start3A_345, %dma_start3A_346] : memref<1600x16xf32, #tpu.memory_space<vmem>> -> memref<800x16xf32, #tpu.memory_space<vmem>>
        %dma_start3A_348 = arith.constant 0 : i32
        %dma_start3A_349 = tpu.memref_slice %arg4[%mul3A_344, %dma_start3A_348] : memref<819200x128xf32, #tpu.memory_space<hbm>> -> memref<800x16xf32, #tpu.memory_space<hbm>>
        %dma_start3A_350 = arith.constant 0 : i32
        %dma_start3A_351 = tpu.memref_slice %arg4[%mul3A_344, %dma_start3A_350] : memref<819200x128xf32, #tpu.memory_space<hbm>> -> memref<800x16xf32, #tpu.memory_space<hbm>>
        %dma_start3A_352 = arith.constant 800 : i32
        %dma_start3A_353 = arith.constant 0 : i32
        %dma_start3A_354 = tpu.memref_slice %arg6[%dma_start3A_352, %dma_start3A_353] : memref<1600x16xf32, #tpu.memory_space<vmem>> -> memref<800x16xf32, #tpu.memory_space<vmem>>
        tpu.enqueue_dma source(%dma_start3A_354 : memref<800x16xf32, #tpu.memory_space<vmem>>) target(%dma_start3A_351 : memref<800x16xf32, #tpu.memory_space<hbm>>) target_semaphore(%run_scoped3A : memref<!tpu.dma_semaphore, #tpu.memory_space<semaphore_mem>>)
        %dma_wait3A_355 = arith.constant 800 : i32
        %dma_wait3A_356 = arith.constant 0 : i32
        %dma_wait3A_357 = tpu.memref_slice %arg6[%dma_wait3A_355, %dma_wait3A_356] : memref<1600x16xf32, #tpu.memory_space<vmem>> -> memref<800x16xf32, #tpu.memory_space<vmem>>
        %dma_wait3A_358 = arith.constant 0 : i32
        %dma_wait3A_359 = tpu.memref_slice %arg4[%mul3A_344, %dma_wait3A_358] : memref<819200x128xf32, #tpu.memory_space<hbm>> -> memref<800x16xf32, #tpu.memory_space<hbm>>
        %dma_wait3A_360 = arith.constant 0 : i32
        %dma_wait3A_361 = tpu.memref_slice %arg4[%mul3A_344, %dma_wait3A_360] : memref<819200x128xf32, #tpu.memory_space<hbm>> -> memref<800x16xf32, #tpu.memory_space<hbm>>
        %dma_wait3A_362 = arith.constant 800 : i32
        %dma_wait3A_363 = arith.constant 0 : i32
        %dma_wait3A_364 = tpu.memref_slice %arg6[%dma_wait3A_362, %dma_wait3A_363] : memref<1600x16xf32, #tpu.memory_space<vmem>> -> memref<800x16xf32, #tpu.memory_space<vmem>>
        tpu.wait_dma2 semaphore(%run_scoped3A : memref<!tpu.dma_semaphore, #tpu.memory_space<semaphore_mem>>) src(%dma_wait3A_364 : memref<800x16xf32, #tpu.memory_space<vmem>>) dst(%dma_wait3A_361 : memref<800x16xf32, #tpu.memory_space<hbm>>)
        tpu.yield
      }) : () -> ()
    }
    %scan3A_9 = arith.constant 16 : i32
    return
  }
}

</mosaic_0001>

<sc_bundles>
// kernel: kernel.4.cloned.1.call-start
scs
__scs_entry_jumppad:
0x0: {  	(pc) =	sbr.rel $0x88, $3  }
0x1: {  	(tag) =	ssettag $0x0;
	lr =	simm.s32 $0x1  }
0x2: {  	[smem:$0x3F9E] =	sst lr;
	_ =	strace $0xD0000000  }
0x3: {  	_ = 	snop  }
0x4: {  	_ = 	snop  }
0x5: {  	_ = 	snop  }
0x6: {  	_ = 	snop  }
0x7: {  	_ = 	snop  }
__scs_overlays_trampoline_lowered:
0x8: {  	[smem:$0x3FAD] =	sst s0  }
0x9: {  	[smem:$0x3FAE] =	sst s1  }
0xa: {  	[smem:$0x3FAF] =	sst s2  }
0xb: {  	[smem:$0x3FB0] =	sst s3  }
0xc: {  	[smem:$0x3FB1] =	sst s4  }
0xd: {  	[smem:$0x3FB2] =	sst s5  }
0xe: {  	[smem:$0x3FB3] =	sst s6  }
0xf: {  	[smem:$0x3FB4] =	sst s7  }
0x10: {  	[smem:$0x3FB5] =	sst s8  }
0x11: {  	[smem:$0x3FB6] =	sst s9;
	s0 =	simm.s32 @!p0 $0x0  }
0x12: {  	s1 =	sld [smem:$0x3F9C];
	s0 =	simm.s32 @p0 $0x1  }
0x13: {  	[smem:$0x3FB7] =	sst s0;
	s0 =	simm.s32 @!p1 $0x0  }
0x14: {  	s2 =	sld [smem:$0x3F9B];
	s0 =	simm.s32 @p1 $0x1  }
0x15: {  	[smem:$0x3FB8] =	sst s0;
	s0 =	simm.s32 @!p2 $0x0  }
0x16: {  	s3 =	sld [smem:$0x3FDB];
	s0 =	simm.s32 @p2 $0x1  }
0x17: {  	s4 =	simm.s32 $0x1BF5;
	[smem:$0x3FBA] =	sst s0  }
0x18: {  	s0 =	sld [smem:$0x3F9D];
	_ =	swait.ge [sflag:s4], $0x0  }
0x19: {  	s7 =	sld [smem:$0x3F9E]  }
0x1a: {  	s8 =	sadd.s32 $0xFFFFE003, lr  }
0x1b: {  	s9 =	sadd.s32 $0xFFFFFEF7, lr;
	s5 =	simm.s32 $0xFFFFFFFF;
	p2 =	slt.u32 s8, $0xFFFFF086  }
0x1c: {  	p1 =	slt.u32 s9, $0xF7A;
	s5 =	simm.s32 @!p2 $0x0  }
0x1d: {  	s5 =	simm.s32 @p1 $0x1;
	p0 =	seq.s32 s7, s2  }
0x1e: {  	s7 =	smul.u32 @!p0 $0xF7A, s2;
	p2 =	seq.s32 @!p0 s5, $0x0  }
0x1f: {  	s9 =	smul.u32 $0xF7A, s1;
	s8 =	simm.s32 @!p0 $0x1BF5;
	p2 =	por !p2, p0  }
0x20: {  	[sflag:s8] =	ssyncset.s32 @!p0 $0xFFFFF086;
	s6 =	sadd.s32 @!p0 s3, s7;
	s7 =	simm.s32 @!p0 $0x108  }
0x21: {  	s3 =	sadd.s32 s3, s9;
	s6 =	sadd.s32 @!p0 $0x88, s6;
	s7 =	simm.s32 @p2 $0x1082  }
0x22: {  	[simem:s7], [sflag:s8] =	dma.local @!p0 [hbm:s6], $0xF7A  }
0x23: {  	s9 =	sor.u32 $0xD0000000, s2;
	s6 =	simm.s32 $0x108;
	_ =	swait.ge @!p0 [sflag:s8], $0x0  }
0x24: {  	s3 =	sadd.s32 $0x88, s3;
	s6 =	simm.s32 @!p1 $0x1082;
	[sflag:s4] =	ssyncset.s32 $0xFFFFF086  }
0x25: {  	[simem:s6], [sflag:s4] =	dma.local [hbm:s3], $0xF7A  }
0x26: {  	[smem:$0x3F9E] =	sst s1;
	(tag) =	ssettag s2;
	_ =	strace s9  }
0x27: {  	s1 =	sld [smem:$0x3FAE]  }
0x28: {  	s2 =	sld [smem:$0x3FAF]  }
0x29: {  	s4 =	sld [smem:$0x3FB1]  }
0x2a: {  	p0 =	seq.s32 s5, $0x0;
	s5 =	sld [smem:$0x3FB2]  }
0x2b: {  	s6 =	sld [smem:$0x3FB3]  }
0x2c: {  	s7 =	sld [smem:$0x3FB4]  }
0x2d: {  	s3 =	simm.s32 $0x108;
	s8 =	sld [smem:$0x3FB5]  }
0x2e: {  	s3 =	simm.s32 @!p0 $0x1082;
	s9 =	sld [smem:$0x3FB6]  }
0x2f: {  	lr =	sadd.s32 s0, s3;
	s0 =	sld [smem:$0x3FAD]  }
0x30: {  	s3 =	sld [smem:$0x3FB0]  }
0x31: {  	[smem:$0x3FB9] =	sst s10  }
0x32: {  	s10 =	sld [smem:$0x3FB7];
	_ =	sdelay $0x3  }
0x33: {  	p0 =	seq.s32 s10, $0x1;
	s10 =	sld [smem:$0x3FB9];
	_ =	sdelay $0x3  }
0x34: {  	[smem:$0x3FB9] =	sst s10  }
0x35: {  	s10 =	sld [smem:$0x3FB8];
	_ =	sdelay $0x3  }
0x36: {  	p1 =	seq.s32 s10, $0x1;
	s10 =	sld [smem:$0x3FB9];
	_ =	sdelay $0x3  }
0x37: {  	[smem:$0x3FB9] =	sst s10  }
0x38: {  	s10 =	sld [smem:$0x3FBA]  }
0x39: {  	_ = 	snop;
	(pc) =	sbr.ind lr, $3  }
0x3a: {  	_ = 	snop  }
0x3b: {  	_ = 	snop  }
0x3c: {  	p2 =	seq.s32 s10, $0x1;
	s10 =	sld [smem:$0x3FB9]  }
0x3d: {  	_ =	shalt  }
0x3e: {  	_ =	shalt  }
0x3f: {  	_ =	shalt  }
0x40: {  	_ =	shalt  }
0x41: {  	_ =	shalt  }
0x42: {  	_ =	shalt  }
0x43: {  	_ =	shalt  }
0x44: {  	_ =	shalt  }
0x45: {  	_ =	shalt  }
0x46: {  	_ =	shalt  }
0x47: {  	_ =	shalt  }
0x48: {  	_ =	shalt  }
0x49: {  	_ =	shalt  }
0x4a: {  	_ =	shalt  }
0x4b: {  	_ =	shalt  }
0x4c: {  	_ =	shalt  }
0x4d: {  	_ =	shalt  }
0x4e: {  	_ =	shalt  }
0x4f: {  	_ =	shalt  }
0x50: {  	_ =	shalt  }
0x51: {  	_ =	shalt  }
0x52: {  	_ =	shalt  }
0x53: {  	_ =	shalt  }
0x54: {  	_ =	shalt  }
0x55: {  	_ =	shalt  }
0x56: {  	_ =	shalt  }
0x57: {  	_ =	shalt  }
0x58: {  	_ =	shalt  }
0x59: {  	_ =	shalt  }
0x5a: {  	_ =	shalt  }
0x5b: {  	_ =	shalt  }
0x5c: {  	_ =	shalt  }
0x5d: {  	_ =	shalt  }
0x5e: {  	_ =	shalt  }
0x5f: {  	_ =	shalt  }
0x60: {  	_ =	shalt  }
0x61: {  	_ =	shalt  }
0x62: {  	_ =	shalt  }
0x63: {  	_ =	shalt  }
0x64: {  	_ =	shalt  }
0x65: {  	_ =	shalt  }
0x66: {  	_ =	shalt  }
0x67: {  	_ =	shalt  }
0x68: {  	_ =	shalt  }
0x69: {  	_ =	shalt  }
0x6a: {  	_ =	shalt  }
0x6b: {  	_ =	shalt  }
0x6c: {  	_ =	shalt  }
0x6d: {  	_ =	shalt  }
0x6e: {  	_ =	shalt  }
0x6f: {  	_ =	shalt  }
0x70: {  	_ =	shalt  }
0x71: {  	_ =	shalt  }
0x72: {  	_ =	shalt  }
0x73: {  	_ =	shalt  }
0x74: {  	_ =	shalt  }
0x75: {  	_ =	shalt  }
0x76: {  	_ =	shalt  }
0x77: {  	_ =	shalt  }
0x78: {  	_ =	shalt  }
0x79: {  	_ =	shalt  }
0x7a: {  	_ =	shalt  }
0x7b: {  	_ =	shalt  }
0x7c: {  	_ =	shalt  }
0x7d: {  	_ =	shalt  }
0x7e: {  	_ =	shalt  }
0x7f: {  	_ =	shalt  }
0x80: {  	_ =	shalt  }
0x81: {  	_ =	shalt  }
0x82: {  	_ =	shalt  }
0x83: {  	_ =	shalt  }
0x84: {  	_ =	shalt  }
0x85: {  	_ =	shalt  }
0x86: {  	_ =	shalt  }
0x87: {  	_ =	shalt  }
.Lfunc_end0:
.L_simem_size_0:
called_computation.2_lowered:
.L_overlay_start_0:
0x88: {  	s2 =	sld [smem:$0x3FD9]  }
0x89: {  	s3 =	sld [smem:$0x3FFE];
	_ =	sdelay $0x1  }
0x8a: {  	s1 =	srdreg.scid  }
0x8b: {  	s0 =	sand.u32 $0x1, s1  }
0x8c: {  	s14 =	sshll.u32 s0, $0xA;
	s2 =	sadd.s32 s3, s2  }
0x8d: {  	s2 =	sadd.s32 s2, s14  }
0x8e: {  	[smem:$0x3FC5] =	sst s2  }
0x8f: {  	_ = 	snop  }
0x90: {  	s2 =	sld [smem:$0x3FD0];
	_ =	sdelay $0x2  }
0x91: {  	s15 =	simm.s32 $0xB;
	s4 =	simm.s32 $0x10  }
0x92: {  	[smem:s4], [sflag:s15] =	dma.local [hbm:s2], $0x1  }
0x93: {  	_ =	swait.eq [sflag:s15], $0x1  }
0x94: {  	[sflag:s15] =	ssyncset.done $0x0  }
0x95: {  	[sflag:s15] =	ssyncadd.s32 $0xFFFFFFFF  }
0x96: {  	s16 =	sld [smem:$0x12];
	(tm) =	ssettm $0x1  }
0x97: {  	s17 =	sld [smem:$0x3FFB];
	_ =	sdelay $0x3  }
0x98: {  	_ =	strace s17  }
0x99: {  	s3 =	sld [smem:$0x3FFC];
	_ =	sdelay $0x3  }
0x9a: {  	_ =	strace s3  }
0x9b: {  	s3 =	sld [smem:$0x3FFD];
	_ =	sdelay $0x3  }
0x9c: {  	_ =	strace s3  }
0x9d: {  	_ =	strace $0x8FFFFFFF  }
0x9e: {  	s18 =	sld [smem:$0x3FDB];
	_ =	sdelay $0x1  }
0x9f: {  	s19 =	simm.s32 $_scs_section_size  }
0xa0: {  	s5 =	simm.s32 $_size__tile_overlayer_lowered;
	s6 =	simm.s32 $_tile_overlayer_lowered  }
0xa1: {  	s22 =	simm.s32 $0x1BFF;
	s21 =	sshll.u32 s6, $0x1;
	s3 =	sadd.s32 s19, s18  }
0xa2: {  	s7 =	simm.s32 $0x0;
	s20 =	sshll.u32 s5, $0x1;
	s5 =	sadd.s32 s21, s3  }
0xa3: {  	[timem:s7], [sflag:s22] =	dma.local [hbm:s5], s20  }
0xa4: {  	_ =	swait.ge [sflag:s22], s20  }
0xa5: {  	s4 =	ssub.s32 $0x0, s20;
	[sflag:s22] =	ssyncset.done $0x0  }
0xa6: {  	[sflag:s22] =	ssyncadd.s32 s4;
	_ =	sdelay $0x1  }
0xa7: {  	s23 =	simm.s32 $0x1B8B  }
0xa8: {  	_ =	swait.ge [sflag:s23], $0x1  }
0xa9: {  	[sflag:s23] =	ssyncset.done $0x0  }
0xaa: {  	s25 =	simm.s32 $0x1B8E;
	s24 =	sld [smem:$0x3FFE];
	[sflag:s23] =	ssyncadd.s32 $0xFFFFFFFF  }
0xab: {  	s26 =	simm.s32 $execute0_lowered;
	[smem:$0x3FD2] =	sst s25  }
0xac: {  	s5 =	sshll.u32 s26, $0x1;
	_ =	strace $0x80000046;
	[dreg:$0x1] =	wrdreg $0xFFFFFFFF  }
0xad: {  	s28 =	simm.s32 $_size_execute0_lowered;
	s3 =	sadd.s32 s3, s5;
	[dreg:$0x0] =	wrdreg $0x0  }
0xae: {  	s5 =	sshll.u32 s28, $0x1;
	[dreg:$0x2] =	wrdreg s3  }
0xaf: {  	[dreg:$0x3] =	wrdreg s5  }
0xb0: {  	[dreg:$0x4] =	wrdreg $0xC0  }
0xb1: {  	_ =	task [dreg:s7], $0x5FFFF  }
0xb2: {  	[dreg:$0x1] =	wrdreg $0xFFFFFFFF  }
0xb3: {  	[dreg:$0x0] =	wrdreg $0x60  }
0xb4: {  	[dreg:$0x2] =	wrdreg s16  }
0xb5: {  	[dreg:$0x3] =	wrdreg s24  }
0xb6: {  	[dreg:$0x4] =	wrdreg $0x9  }
0xb7: {  	_ =	task.clear_ibuf [dreg:s7], $0x5FFFF;
	_ =	strace $0x90000046  }
0xb8: {  	s29 =	simm.s32 $0x9;
	_ =	strace $0x80000048  }
0xb9: {  	_ =	swait.ge [sflag:s29], $0x1  }
0xba: {  	[sflag:s29] =	ssyncadd.s32 $0xFFFFFFFF  }
0xbb: {  	_ =	strace $0x90000048  }
0xbc: {  	_ =	sfence  }
0xbd: {  	s30 =	sld [smem:$0x0];
	_ =	sdelay $0x2  }
0xbe: {  	s31 =	sshll.u32 s1, $0xD;
	s1 =	sshrl.u32 s1, $0x2  }
0xbf: {  	s3 =	sand.u32 $0x4000, s31;
	s1 =	sadd.s32 s1, s30  }
0xc0: {  	s0 =	sor.u32 s3, s0;
	s1 =	sshll.u32 s1, $0x11  }
0xc1: {  	s0 =	sor.u32 s1, s0  }
0xc2: {  	s0 =	sadd.s32 $0x8F2B, s0  }
0xc3: {  	[sflag:s0] =	ssyncadd.remote.s32 $0x1  }
0xc4: {  	_ =	sfence.sel $0xFFFF  }
0xc5: {  	[dreg:$0x0] =	wrdreg $0xFFFFFFFF;
	(pc) =	sbr.abs _section_cstart, $3  }
0xc6: {  	[dreg:$0x1] =	wrdreg $0xFFFFFFFF  }
0xc7: {  	_ =	task.clear_ibuf [dreg:s7], $0x2FFFF;
	_ =	strace $0x9FFFFFFF  }
0xc8: {  	(tm) =	ssettm $0x7FFFFFFF  }
0xc9: {  	_ =	shalt  }
tec
execute0_lowered:
.L_overlay_start_1:
0x0: {  	(tag) =	ssettag $0x1  }
0x1: {  	s4 =	rddreg [dreg:$0x0]  }
0x2: {  	s5 =	rddreg [dreg:$0x1]  }
0x3: {  	s0 =	rddreg [dreg:$0x2]  }
0x4: {  	s2 =	simm.s32 $0x0;
	s1 =	stileid.u32;
	s3 =	srdreg.scid  }
0x5: {  	s24 =	simm.s32 $0x6C00;
	s25 =	simm.s32 $0x7080;
	s26 =	simm.s32 $0x7880  }
0x6: {  	s28 =	simm.s32 $0x7D00;
	s29 =	simm.s32 $0x8500;
	s30 =	simm.s32 $0x8980  }
0x7: {  	s11 =	simm.s32 $0x9180;
	s12 =	simm.s32 $0x9E00;
	[smem:$0x7FF] =	sst s2  }
0x8: {  	s31 =	simm.s32 $0xA280;
	_ =	strace $0x80000047;
	[dreg:$0x3] =	wrdreg s24  }
0x9: {  	s13 =	simm.s32 $0xAF00;
	s14 =	simm.s32 $0xB700;
	[dreg:$0x4] =	wrdreg s25  }
0xa: {  	s15 =	simm.s32 $0xBB80;
	s16 =	simm.s32 $0xC380;
	[dreg:$0x5] =	wrdreg s26  }
0xb: {  	s17 =	simm.s32 $0x1;
	s18 =	simm.s32 $0x10;
	[dreg:$0x6] =	wrdreg s28  }
0xc: {  	s19 =	simm.s32 $0x0;
	s6 =	sand.u32 $0x1, s3;
	[dreg:$0x7] =	wrdreg s29  }
0xd: {  	s22 =	sshll.u32 s1, $0x1;
	s7 =	smul.u32 $0xC8000, s1;
	[dreg:$0x8] =	wrdreg s30  }
0xe: {  	s8 =	ssub.s32 $0x2, s6;
	s3 =	sor.u32 s6, s22;
	[dreg:$0x9] =	wrdreg s11  }
0xf: {  	s6 =	smul.u32 $0x64000, s6;
	s11 =	simm.s32 $0x9600;
	[dreg:$0xa] =	wrdreg s12  }
0x10: {  	[dreg:$0xb] =	wrdreg s31;
	s12 =	simm.s32 $0xAA80;
	s9 =	sshrl.u32 s8, $0x1  }
0x11: {  	s10 =	smul.u32 $0xC80, s3;
	s3 =	sadd.s32 $0xF43400, s5;
	s7 =	sadd.s32 s7, s5  }
0x12: {  	s23 =	ssub.s32 s8, s9;
	s6 =	sadd.s32 s6, s7;
	s7 =	simm.s32 $0x2  }
0x13: {  	s8 =	simm.s32 $0x80;
	s9 =	simm.s32 $0x6400;
	s4 =	sadd.s32 s4, s10  }
0x14: {  	s5 =	smax.u32 s23, $0x1;
	s6 =	sadd.s32 $0x1000, s6;
	s10 =	simm.s32 $0x48  }
.LBB2_1:
0x15: {  	[tilespmem:s2], [sflag:$0x2] =	stream.linear.gather [hbm4b:s4+s2], $0x6400, $0x38;
	[tilespmem:$0xC800] =	vst v63  }
0x16: {  	_ =	swait.ge [sflag:s7], $0x6400  }
0x17: {  	[sflag:s7] =	ssyncset.done $0x0  }
0x18: {  	s20 =	simm.s32 $0x0;
	[sflag:s7] =	ssyncadd.s32 $0xFFFF9C00  }
0x19: {  	[tilespmem:s9], [sflag:$0x1] =	stream.indirect.gather [hbm4b:s3+s8], $0x10, s20, s8, $0xb8;
	[tilespmem:$0xC800] =	vst v63  }
0x1a: {  	s25 =	simm.s32 $0x80;
	s21 =	rddreg [dreg:$0x3]  }
0x1b: {  	[tilespmem:s21], [sflag:$0x1] =	stream.indirect.gather [hbm4b:s3+s10], $0x10, s25, s10, $0xb8;
	[tilespmem:$0xC800] =	vst v63  }
0x1c: {  	s28 =	simm.s32 $0xC8;
	s22 =	rddreg [dreg:$0x4]  }
0x1d: {  	[tilespmem:s22], [sflag:$0x1] =	stream.indirect.gather [hbm4b:s3+s8], $0x10, s28, s8, $0xb8;
	[tilespmem:$0xC800] =	vst v63  }
0x1e: {  	s29 =	simm.s32 $0x148;
	s26 =	rddreg [dreg:$0x5]  }
0x1f: {  	[tilespmem:s26], [sflag:$0x1] =	stream.indirect.gather [hbm4b:s3+s10], $0x10, s29, s10, $0xb8;
	[tilespmem:$0xC800] =	vst v63  }
0x20: {  	s23 =	simm.s32 $0x190;
	s30 =	rddreg [dreg:$0x6]  }
0x21: {  	[tilespmem:s30], [sflag:$0x1] =	stream.indirect.gather [hbm4b:s3+s8], $0x10, s23, s8, $0xb8;
	[tilespmem:$0xC800] =	vst v63  }
0x22: {  	s24 =	simm.s32 $0x210;
	s31 =	rddreg [dreg:$0x7]  }
0x23: {  	[tilespmem:s31], [sflag:$0x1] =	stream.indirect.gather [hbm4b:s3+s10], $0x10, s24, s10, $0xb8;
	[tilespmem:$0xC800] =	vst v63  }
0x24: {  	s25 =	rddreg [dreg:$0x8];
	s26 =	simm.s32 $0x258  }
0x25: {  	[tilespmem:s25], [sflag:$0x1] =	stream.indirect.gather [hbm4b:s3+s8], $0x10, s26, s8, $0xb8;
	[tilespmem:$0xC800] =	vst v63  }
0x26: {  	s28 =	rddreg [dreg:$0x9];
	s29 =	simm.s32 $0x2D8  }
0x27: {  	[tilespmem:s28], [sflag:$0x1] =	stream.indirect.gather [hbm4b:s3+s10], $0x10, s29, s10, $0xb8;
	[tilespmem:$0xC800] =	vst v63  }
0x28: {  	s30 =	simm.s32 $0x320  }
0x29: {  	[tilespmem:s11], [sflag:$0x1] =	stream.indirect.gather [hbm4b:s3+s8], $0x10, s30, s8, $0xb8;
	[tilespmem:$0xC800] =	vst v63  }
0x2a: {  	s22 =	simm.s32 $0x3A0;
	s31 =	rddreg [dreg:$0xa]  }
0x2b: {  	[tilespmem:s31], [sflag:$0x1] =	stream.indirect.gather [hbm4b:s3+s10], $0x10, s22, s10, $0xb8;
	[tilespmem:$0xC800] =	vst v63  }
0x2c: {  	s23 =	rddreg [dreg:$0xb];
	s24 =	simm.s32 $0x3E8  }
0x2d: {  	[tilespmem:s23], [sflag:$0x1] =	stream.indirect.gather [hbm4b:s3+s8], $0x10, s24, s8, $0xb8;
	[tilespmem:$0xC800] =	vst v63  }
0x2e: {  	s25 =	simm.s32 $0x468  }
0x2f: {  	[tilespmem:s12], [sflag:$0x1] =	stream.indirect.gather [hbm4b:s3+s10], $0x10, s25, s10, $0xb8;
	[tilespmem:$0xC800] =	vst v63  }
0x30: {  	s26 =	simm.s32 $0x4B0  }
0x31: {  	[tilespmem:s13], [sflag:$0x1] =	stream.indirect.gather [hbm4b:s3+s8], $0x10, s26, s8, $0xb8;
	[tilespmem:$0xC800] =	vst v63  }
0x32: {  	s28 =	simm.s32 $0x530  }
0x33: {  	[tilespmem:s14], [sflag:$0x1] =	stream.indirect.gather [hbm4b:s3+s10], $0x10, s28, s10, $0xb8;
	[tilespmem:$0xC800] =	vst v63  }
0x34: {  	s29 =	simm.s32 $0x578  }
0x35: {  	[tilespmem:s15], [sflag:$0x1] =	stream.indirect.gather [hbm4b:s3+s8], $0x10, s29, s8, $0xb8;
	[tilespmem:$0xC800] =	vst v63  }
0x36: {  	s30 =	simm.s32 $0x5F8  }
0x37: {  	[tilespmem:s16], [sflag:$0x1] =	stream.indirect.gather [hbm4b:s3+s10], $0x10, s30, s10, $0xb8;
	[tilespmem:$0xC800] =	vst v63  }
0x38: {  	_ =	swait.ge [sflag:s17], $0x800  }
0x39: {  	[sflag:s17] =	ssyncset.done $0x0  }
0x3a: {  	[sflag:s17] =	ssyncadd.s32 $0xFFFFF800  }
0x3b: {  	_ =	swait.ge [sflag:s17], $0x480  }
0x3c: {  	[sflag:s17] =	ssyncset.done $0x0  }
0x3d: {  	[sflag:s17] =	ssyncadd.s32 $0xFFFFFB80  }
0x3e: {  	_ =	swait.ge [sflag:s17], $0x800  }
0x3f: {  	[sflag:s17] =	ssyncset.done $0x0  }
0x40: {  	[sflag:s17] =	ssyncadd.s32 $0xFFFFF800  }
0x41: {  	_ =	swait.ge [sflag:s17], $0x480  }
0x42: {  	[sflag:s17] =	ssyncset.done $0x0  }
0x43: {  	[sflag:s17] =	ssyncadd.s32 $0xFFFFFB80  }
0x44: {  	_ =	swait.ge [sflag:s17], $0x800  }
0x45: {  	[sflag:s17] =	ssyncset.done $0x0  }
0x46: {  	[sflag:s17] =	ssyncadd.s32 $0xFFFFF800  }
0x47: {  	_ =	swait.ge [sflag:s17], $0x480  }
0x48: {  	[sflag:s17] =	ssyncset.done $0x0  }
0x49: {  	[sflag:s17] =	ssyncadd.s32 $0xFFFFFB80  }
0x4a: {  	_ =	swait.ge [sflag:s17], $0x800  }
0x4b: {  	[sflag:s17] =	ssyncset.done $0x0  }
0x4c: {  	[sflag:s17] =	ssyncadd.s32 $0xFFFFF800  }
0x4d: {  	_ =	swait.ge [sflag:s17], $0x480  }
0x4e: {  	[sflag:s17] =	ssyncset.done $0x0  }
0x4f: {  	[sflag:s17] =	ssyncadd.s32 $0xFFFFFB80  }
0x50: {  	[hbm4b:s6+s18] =	stream.strided.scatter [tilespmem:s9], [sflag:$0x2], $0x3200, s8, s18, $0x38;
	[tilespmem:$0xC800] =	vst v63  }
0x51: {  	_ =	swait.ge [sflag:s7], $0x3200  }
0x52: {  	[sflag:s7] =	ssyncset.done $0x0  }
0x53: {  	[sflag:s7] =	ssyncadd.s32 $0xFFFFCE00  }
0x54: {  	_ =	swait.ge [sflag:s17], $0x800  }
0x55: {  	[sflag:s17] =	ssyncset.done $0x0  }
0x56: {  	[sflag:s17] =	ssyncadd.s32 $0xFFFFF800  }
0x57: {  	_ =	swait.ge [sflag:s17], $0x480  }
0x58: {  	[sflag:s17] =	ssyncset.done $0x0  }
0x59: {  	[sflag:s17] =	ssyncadd.s32 $0xFFFFFB80  }
0x5a: {  	_ =	swait.ge [sflag:s17], $0x800  }
0x5b: {  	[sflag:s17] =	ssyncset.done $0x0  }
0x5c: {  	[sflag:s17] =	ssyncadd.s32 $0xFFFFF800  }
0x5d: {  	_ =	swait.ge [sflag:s17], $0x480  }
0x5e: {  	[sflag:s17] =	ssyncset.done $0x0  }
0x5f: {  	[sflag:s17] =	ssyncadd.s32 $0xFFFFFB80  }
0x60: {  	_ =	swait.ge [sflag:s17], $0x800  }
0x61: {  	[sflag:s17] =	ssyncset.done $0x0  }
0x62: {  	[sflag:s17] =	ssyncadd.s32 $0xFFFFF800  }
0x63: {  	_ =	swait.ge [sflag:s17], $0x480  }
0x64: {  	[sflag:s17] =	ssyncset.done $0x0  }
0x65: {  	[sflag:s17] =	ssyncadd.s32 $0xFFFFFB80  }
0x66: {  	_ =	swait.ge [sflag:s17], $0x800  }
0x67: {  	[sflag:s17] =	ssyncset.done $0x0  }
0x68: {  	[sflag:s17] =	ssyncadd.s32 $0xFFFFF800  }
0x69: {  	_ =	swait.ge [sflag:s17], $0x480  }
0x6a: {  	[sflag:s17] =	ssyncset.done $0x0  }
0x6b: {  	s20 =	sadd.s32 $0x6400, s6;
	s31 =	sadd.s32 $0x3200, s6;
	[sflag:s17] =	ssyncadd.s32 $0xFFFFFB80  }
0x6c: {  	[hbm4b:s31+s18] =	stream.strided.scatter [tilespmem:s11], [sflag:$0x2], $0x3200, s8, s18, $0x38;
	[tilespmem:$0xC800] =	vst v63  }
0x6d: {  	s21 =	simm.s32 $0x1900;
	s22 =	simm.s32 $0x3200;
	_ =	swait.ge [sflag:s7], $0x3200  }
.LBB2_2:
0x6e: {  	[sflag:s7] =	ssyncset.done $0x0  }
0x6f: {  	s23 =	sshra.s32 s21, $0x2;
	[sflag:s7] =	ssyncadd.s32 $0xFFFFCE00  }
0x70: {  	[tilespmem:s9], [sflag:$0x1] =	stream.indirect.gather [hbm4b:s3+s8], $0x10, s23, s8, $0xb8;
	[tilespmem:$0xC800] =	vst v63  }
0x71: {  	s24 =	rddreg [dreg:$0x3];
	s25 =	sadd.s32 $0x80, s23  }
0x72: {  	[tilespmem:s24], [sflag:$0x1] =	stream.indirect.gather [hbm4b:s3+s10], $0x10, s25, s10, $0xb8;
	[tilespmem:$0xC800] =	vst v63  }
0x73: {  	s28 =	rddreg [dreg:$0x4];
	s25 =	sadd.s32 $0xC8, s23  }
0x74: {  	[tilespmem:s28], [sflag:$0x1] =	stream.indirect.gather [hbm4b:s3+s8], $0x10, s25, s8, $0xb8;
	[tilespmem:$0xC800] =	vst v63  }
0x75: {  	s26 =	rddreg [dreg:$0x5];
	s30 =	sadd.s32 $0x148, s23  }
0x76: {  	[tilespmem:s26], [sflag:$0x1] =	stream.indirect.gather [hbm4b:s3+s10], $0x10, s30, s10, $0xb8;
	[tilespmem:$0xC800] =	vst v63  }
0x77: {  	s31 =	rddreg [dreg:$0x6];
	s24 =	sadd.s32 $0x190, s23  }
0x78: {  	[tilespmem:s31], [sflag:$0x1] =	stream.indirect.gather [hbm4b:s3+s8], $0x10, s24, s8, $0xb8;
	[tilespmem:$0xC800] =	vst v63  }
0x79: {  	s29 =	rddreg [dreg:$0x7];
	s30 =	sadd.s32 $0x210, s23  }
0x7a: {  	[tilespmem:s29], [sflag:$0x1] =	stream.indirect.gather [hbm4b:s3+s10], $0x10, s30, s10, $0xb8;
	[tilespmem:$0xC800] =	vst v63  }
0x7b: {  	s26 =	rddreg [dreg:$0x8];
	s31 =	sadd.s32 $0x258, s23  }
0x7c: {  	[tilespmem:s26], [sflag:$0x1] =	stream.indirect.gather [hbm4b:s3+s8], $0x10, s31, s8, $0xb8;
	[tilespmem:$0xC800] =	vst v63  }
0x7d: {  	s29 =	sadd.s32 $0x2D8, s23;
	s30 =	rddreg [dreg:$0x9]  }
0x7e: {  	[tilespmem:s30], [sflag:$0x1] =	stream.indirect.gather [hbm4b:s3+s10], $0x10, s29, s10, $0xb8;
	[tilespmem:$0xC800] =	vst v63  }
0x7f: {  	s31 =	sadd.s32 $0x320, s23  }
0x80: {  	[tilespmem:s11], [sflag:$0x1] =	stream.indirect.gather [hbm4b:s3+s8], $0x10, s31, s8, $0xb8;
	[tilespmem:$0xC800] =	vst v63  }
0x81: {  	s26 =	sadd.s32 $0x3A0, s23;
	s29 =	rddreg [dreg:$0xa]  }
0x82: {  	[tilespmem:s29], [sflag:$0x1] =	stream.indirect.gather [hbm4b:s3+s10], $0x10, s26, s10, $0xb8;
	[tilespmem:$0xC800] =	vst v63  }
0x83: {  	s30 =	sadd.s32 $0x3E8, s23;
	s31 =	rddreg [dreg:$0xb]  }
0x84: {  	[tilespmem:s31], [sflag:$0x1] =	stream.indirect.gather [hbm4b:s3+s8], $0x10, s30, s8, $0xb8;
	[tilespmem:$0xC800] =	vst v63  }
0x85: {  	s26 =	sadd.s32 $0x468, s23  }
0x86: {  	[tilespmem:s12], [sflag:$0x1] =	stream.indirect.gather [hbm4b:s3+s10], $0x10, s26, s10, $0xb8;
	[tilespmem:$0xC800] =	vst v63  }
0x87: {  	s28 =	sadd.s32 $0x4B0, s23  }
0x88: {  	[tilespmem:s13], [sflag:$0x1] =	stream.indirect.gather [hbm4b:s3+s8], $0x10, s28, s8, $0xb8;
	[tilespmem:$0xC800] =	vst v63  }
0x89: {  	s29 =	sadd.s32 $0x530, s23  }
0x8a: {  	[tilespmem:s14], [sflag:$0x1] =	stream.indirect.gather [hbm4b:s3+s10], $0x10, s29, s10, $0xb8;
	[tilespmem:$0xC800] =	vst v63  }
0x8b: {  	s30 =	sadd.s32 $0x578, s23  }
0x8c: {  	[tilespmem:s15], [sflag:$0x1] =	stream.indirect.gather [hbm4b:s3+s8], $0x10, s30, s8, $0xb8;
	[tilespmem:$0xC800] =	vst v63  }
0x8d: {  	s23 =	sadd.s32 $0x5F8, s23  }
0x8e: {  	[tilespmem:s16], [sflag:$0x1] =	stream.indirect.gather [hbm4b:s3+s10], $0x10, s23, s10, $0xb8;
	[tilespmem:$0xC800] =	vst v63  }
0x8f: {  	_ =	swait.ge [sflag:s17], $0x800  }
0x90: {  	[sflag:s17] =	ssyncset.done $0x0  }
0x91: {  	[sflag:s17] =	ssyncadd.s32 $0xFFFFF800  }
0x92: {  	_ =	swait.ge [sflag:s17], $0x480  }
0x93: {  	[sflag:s17] =	ssyncset.done $0x0  }
0x94: {  	[sflag:s17] =	ssyncadd.s32 $0xFFFFFB80  }
0x95: {  	_ =	swait.ge [sflag:s17], $0x800  }
0x96: {  	[sflag:s17] =	ssyncset.done $0x0  }
0x97: {  	[sflag:s17] =	ssyncadd.s32 $0xFFFFF800  }
0x98: {  	_ =	swait.ge [sflag:s17], $0x480  }
0x99: {  	[sflag:s17] =	ssyncset.done $0x0  }
0x9a: {  	[sflag:s17] =	ssyncadd.s32 $0xFFFFFB80  }
0x9b: {  	_ =	swait.ge [sflag:s17], $0x800  }
0x9c: {  	[sflag:s17] =	ssyncset.done $0x0  }
0x9d: {  	[sflag:s17] =	ssyncadd.s32 $0xFFFFF800  }
0x9e: {  	_ =	swait.ge [sflag:s17], $0x480  }
0x9f: {  	[sflag:s17] =	ssyncset.done $0x0  }
0xa0: {  	[sflag:s17] =	ssyncadd.s32 $0xFFFFFB80  }
0xa1: {  	_ =	swait.ge [sflag:s17], $0x800  }
0xa2: {  	[sflag:s17] =	ssyncset.done $0x0  }
0xa3: {  	[sflag:s17] =	ssyncadd.s32 $0xFFFFF800  }
0xa4: {  	_ =	swait.ge [sflag:s17], $0x480  }
0xa5: {  	[sflag:s17] =	ssyncset.done $0x0  }
0xa6: {  	[sflag:s17] =	ssyncadd.s32 $0xFFFFFB80  }
0xa7: {  	[hbm4b:s20+s18] =	stream.strided.scatter [tilespmem:s9], [sflag:$0x2], $0x3200, s8, s18, $0x38;
	[tilespmem:$0xC800] =	vst v63  }
0xa8: {  	_ =	swait.ge [sflag:s7], $0x3200  }
0xa9: {  	[sflag:s7] =	ssyncset.done $0x0  }
0xaa: {  	[sflag:s7] =	ssyncadd.s32 $0xFFFFCE00  }
0xab: {  	_ =	swait.ge [sflag:s17], $0x800  }
0xac: {  	[sflag:s17] =	ssyncset.done $0x0  }
0xad: {  	[sflag:s17] =	ssyncadd.s32 $0xFFFFF800  }
0xae: {  	_ =	swait.ge [sflag:s17], $0x480  }
0xaf: {  	[sflag:s17] =	ssyncset.done $0x0  }
0xb0: {  	[sflag:s17] =	ssyncadd.s32 $0xFFFFFB80  }
0xb1: {  	_ =	swait.ge [sflag:s17], $0x800  }
0xb2: {  	[sflag:s17] =	ssyncset.done $0x0  }
0xb3: {  	[sflag:s17] =	ssyncadd.s32 $0xFFFFF800  }
0xb4: {  	_ =	swait.ge [sflag:s17], $0x480  }
0xb5: {  	[sflag:s17] =	ssyncset.done $0x0  }
0xb6: {  	[sflag:s17] =	ssyncadd.s32 $0xFFFFFB80  }
0xb7: {  	_ =	swait.ge [sflag:s17], $0x800  }
0xb8: {  	[sflag:s17] =	ssyncset.done $0x0  }
0xb9: {  	[sflag:s17] =	ssyncadd.s32 $0xFFFFF800  }
0xba: {  	_ =	swait.ge [sflag:s17], $0x480  }
0xbb: {  	[sflag:s17] =	ssyncset.done $0x0  }
0xbc: {  	[sflag:s17] =	ssyncadd.s32 $0xFFFFFB80  }
0xbd: {  	_ =	swait.ge [sflag:s17], $0x800  }
0xbe: {  	[sflag:s17] =	ssyncset.done $0x0  }
0xbf: {  	p0 =	sne.s32 s22, $0x17700;
	[sflag:s17] =	ssyncadd.s32 $0xFFFFF800  }
.Ltmp0:
0xc0: {  	_ =	swait.ge [sflag:s17], $0x480;
	(pc) =	sbr.rel @p0 .LBB2_2-.Ltmp0, $4  }
0xc1: {  	[sflag:s17] =	ssyncset.done $0x0  }
0xc2: {  	s21 =	smov.u32 s22;
	s31 =	sadd.s32 $0x3200, s20;
	[sflag:s17] =	ssyncadd.s32 $0xFFFFFB80  }
0xc3: {  	[hbm4b:s31+s18] =	stream.strided.scatter [tilespmem:s11], [sflag:$0x2], $0x3200, s8, s18, $0x38;
	[tilespmem:$0xC800] =	vst v63  }
0xc4: {  	s22 =	sadd.s32 $0x1900, s22;
	s20 =	sadd.s32 $0x6400, s20;
	_ =	swait.ge [sflag:s7], $0x3200  }
0xc5: {  	[sflag:s7] =	ssyncset.done $0x0  }
0xc6: {  	s21 =	sshra.s32 s21, $0x2;
	[sflag:s7] =	ssyncadd.s32 $0xFFFFCE00  }
0xc7: {  	[tilespmem:s9], [sflag:$0x1] =	stream.indirect.gather [hbm4b:s3+s8], $0x10, s21, s8, $0xb8;
	[tilespmem:$0xC800] =	vst v63  }
0xc8: {  	s22 =	rddreg [dreg:$0x3];
	s23 =	sadd.s32 $0x80, s21  }
0xc9: {  	[tilespmem:s22], [sflag:$0x1] =	stream.indirect.gather [hbm4b:s3+s10], $0x10, s23, s10, $0xb8;
	[tilespmem:$0xC800] =	vst v63  }
0xca: {  	s24 =	rddreg [dreg:$0x4];
	s31 =	sadd.s32 $0xC8, s21  }
0xcb: {  	[tilespmem:s24], [sflag:$0x1] =	stream.indirect.gather [hbm4b:s3+s8], $0x10, s31, s8, $0xb8;
	[tilespmem:$0xC800] =	vst v63  }
0xcc: {  	s30 =	rddreg [dreg:$0x5];
	s25 =	sadd.s32 $0x148, s21  }
0xcd: {  	[tilespmem:s30], [sflag:$0x1] =	stream.indirect.gather [hbm4b:s3+s10], $0x10, s25, s10, $0xb8;
	[tilespmem:$0xC800] =	vst v63  }
0xce: {  	s26 =	rddreg [dreg:$0x6];
	s29 =	sadd.s32 $0x190, s21  }
0xcf: {  	[tilespmem:s26], [sflag:$0x1] =	stream.indirect.gather [hbm4b:s3+s8], $0x10, s29, s8, $0xb8;
	[tilespmem:$0xC800] =	vst v63  }
0xd0: {  	s28 =	rddreg [dreg:$0x7];
	s30 =	sadd.s32 $0x210, s21  }
0xd1: {  	[tilespmem:s28], [sflag:$0x1] =	stream.indirect.gather [hbm4b:s3+s10], $0x10, s30, s10, $0xb8;
	[tilespmem:$0xC800] =	vst v63  }
0xd2: {  	s23 =	sadd.s32 $0x258, s21;
	s31 =	rddreg [dreg:$0x8]  }
0xd3: {  	[tilespmem:s31], [sflag:$0x1] =	stream.indirect.gather [hbm4b:s3+s8], $0x10, s23, s8, $0xb8;
	[tilespmem:$0xC800] =	vst v63  }
0xd4: {  	s25 =	rddreg [dreg:$0x9];
	s26 =	sadd.s32 $0x2D8, s21  }
0xd5: {  	[tilespmem:s25], [sflag:$0x1] =	stream.indirect.gather [hbm4b:s3+s10], $0x10, s26, s10, $0xb8;
	[tilespmem:$0xC800] =	vst v63  }
0xd6: {  	s28 =	sadd.s32 $0x320, s21  }
0xd7: {  	[tilespmem:s11], [sflag:$0x1] =	stream.indirect.gather [hbm4b:s3+s8], $0x10, s28, s8, $0xb8;
	[tilespmem:$0xC800] =	vst v63  }
0xd8: {  	s29 =	rddreg [dreg:$0xa];
	s30 =	sadd.s32 $0x3A0, s21  }
0xd9: {  	[tilespmem:s29], [sflag:$0x1] =	stream.indirect.gather [hbm4b:s3+s10], $0x10, s30, s10, $0xb8;
	[tilespmem:$0xC800] =	vst v63  }
0xda: {  	s31 =	rddreg [dreg:$0xb];
	s25 =	sadd.s32 $0x3E8, s21  }
0xdb: {  	[tilespmem:s31], [sflag:$0x1] =	stream.indirect.gather [hbm4b:s3+s8], $0x10, s25, s8, $0xb8;
	[tilespmem:$0xC800] =	vst v63  }
0xdc: {  	s26 =	sadd.s32 $0x468, s21  }
0xdd: {  	[tilespmem:s12], [sflag:$0x1] =	stream.indirect.gather [hbm4b:s3+s10], $0x10, s26, s10, $0xb8;
	[tilespmem:$0xC800] =	vst v63  }
0xde: {  	s28 =	sadd.s32 $0x4B0, s21  }
0xdf: {  	[tilespmem:s13], [sflag:$0x1] =	stream.indirect.gather [hbm4b:s3+s8], $0x10, s28, s8, $0xb8;
	[tilespmem:$0xC800] =	vst v63  }
0xe0: {  	s29 =	sadd.s32 $0x530, s21  }
0xe1: {  	[tilespmem:s14], [sflag:$0x1] =	stream.indirect.gather [hbm4b:s3+s10], $0x10, s29, s10, $0xb8;
	[tilespmem:$0xC800] =	vst v63  }
0xe2: {  	s30 =	sadd.s32 $0x578, s21  }
0xe3: {  	[tilespmem:s15], [sflag:$0x1] =	stream.indirect.gather [hbm4b:s3+s8], $0x10, s30, s8, $0xb8;
	[tilespmem:$0xC800] =	vst v63  }
0xe4: {  	s21 =	sadd.s32 $0x5F8, s21  }
0xe5: {  	[tilespmem:s16], [sflag:$0x1] =	stream.indirect.gather [hbm4b:s3+s10], $0x10, s21, s10, $0xb8;
	[tilespmem:$0xC800] =	vst v63  }
0xe6: {  	_ =	swait.ge [sflag:s17], $0x800  }
0xe7: {  	[sflag:s17] =	ssyncset.done $0x0  }
0xe8: {  	[sflag:s17] =	ssyncadd.s32 $0xFFFFF800  }
0xe9: {  	_ =	swait.ge [sflag:s17], $0x480  }
0xea: {  	[sflag:s17] =	ssyncset.done $0x0  }
0xeb: {  	[sflag:s17] =	ssyncadd.s32 $0xFFFFFB80  }
0xec: {  	_ =	swait.ge [sflag:s17], $0x800  }
0xed: {  	[sflag:s17] =	ssyncset.done $0x0  }
0xee: {  	[sflag:s17] =	ssyncadd.s32 $0xFFFFF800  }
0xef: {  	_ =	swait.ge [sflag:s17], $0x480  }
0xf0: {  	[sflag:s17] =	ssyncset.done $0x0  }
0xf1: {  	[sflag:s17] =	ssyncadd.s32 $0xFFFFFB80  }
0xf2: {  	_ =	swait.ge [sflag:s17], $0x800  }
0xf3: {  	[sflag:s17] =	ssyncset.done $0x0  }
0xf4: {  	[sflag:s17] =	ssyncadd.s32 $0xFFFFF800  }
0xf5: {  	_ =	swait.ge [sflag:s17], $0x480  }
0xf6: {  	[sflag:s17] =	ssyncset.done $0x0  }
0xf7: {  	[sflag:s17] =	ssyncadd.s32 $0xFFFFFB80  }
0xf8: {  	_ =	swait.ge [sflag:s17], $0x800  }
0xf9: {  	[sflag:s17] =	ssyncset.done $0x0  }
0xfa: {  	[sflag:s17] =	ssyncadd.s32 $0xFFFFF800  }
0xfb: {  	_ =	swait.ge [sflag:s17], $0x480  }
0xfc: {  	[sflag:s17] =	ssyncset.done $0x0  }
0xfd: {  	[sflag:s17] =	ssyncadd.s32 $0xFFFFFB80  }
0xfe: {  	[hbm4b:s20+s18] =	stream.strided.scatter [tilespmem:s9], [sflag:$0x2], $0x3200, s8, s18, $0x38;
	[tilespmem:$0xC800] =	vst v63  }
0xff: {  	_ =	swait.ge [sflag:s7], $0x3200  }
0x100: {  	[sflag:s7] =	ssyncset.done $0x0  }
0x101: {  	[sflag:s7] =	ssyncadd.s32 $0xFFFFCE00  }
0x102: {  	_ =	swait.ge [sflag:s17], $0x800  }
0x103: {  	[sflag:s17] =	ssyncset.done $0x0  }
0x104: {  	[sflag:s17] =	ssyncadd.s32 $0xFFFFF800  }
0x105: {  	_ =	swait.ge [sflag:s17], $0x480  }
0x106: {  	[sflag:s17] =	ssyncset.done $0x0  }
0x107: {  	[sflag:s17] =	ssyncadd.s32 $0xFFFFFB80  }
0x108: {  	_ =	swait.ge [sflag:s17], $0x800  }
0x109: {  	[sflag:s17] =	ssyncset.done $0x0  }
0x10a: {  	[sflag:s17] =	ssyncadd.s32 $0xFFFFF800  }
0x10b: {  	_ =	swait.ge [sflag:s17], $0x480  }
0x10c: {  	[sflag:s17] =	ssyncset.done $0x0  }
0x10d: {  	[sflag:s17] =	ssyncadd.s32 $0xFFFFFB80  }
0x10e: {  	_ =	swait.ge [sflag:s17], $0x800  }
0x10f: {  	[sflag:s17] =	ssyncset.done $0x0  }
0x110: {  	[sflag:s17] =	ssyncadd.s32 $0xFFFFF800  }
0x111: {  	_ =	swait.ge [sflag:s17], $0x480  }
0x112: {  	[sflag:s17] =	ssyncset.done $0x0  }
0x113: {  	[sflag:s17] =	ssyncadd.s32 $0xFFFFFB80  }
0x114: {  	_ =	swait.ge [sflag:s17], $0x800  }
0x115: {  	[sflag:s17] =	ssyncset.done $0x0  }
0x116: {  	[sflag:s17] =	ssyncadd.s32 $0xFFFFF800  }
0x117: {  	s19 =	sadd.s32 $0x1, s19;
	_ =	swait.ge [sflag:s17], $0x480  }
0x118: {  	p0 =	sne.s32 s19, s5;
	[sflag:s17] =	ssyncset.done $0x0  }
.Ltmp1:
0x119: {  	s31 =	sadd.s32 $0x3200, s20;
	[sflag:s17] =	ssyncadd.s32 $0xFFFFFB80;
	(pc) =	sbr.rel @p0 .LBB2_1-.Ltmp1, $4  }
0x11a: {  	[hbm4b:s31+s18] =	stream.strided.scatter [tilespmem:s11], [sflag:$0x2], $0x3200, s8, s18, $0x38;
	[tilespmem:$0xC800] =	vst v63  }
0x11b: {  	_ =	swait.ge [sflag:s7], $0x3200  }
0x11c: {  	[sflag:s7] =	ssyncset.done $0x0  }
0x11d: {  	[sflag:s7] =	ssyncadd.s32 $0xFFFFCE00  }
0x11e: {  	_ =	sfence.sel $0x180000  }
0x11f: {  	[bflag:$0x0] =	sbarrier.arrive $0xFFFF  }
0x120: {  	p0 =	sne.s32 s1, $0x0;
	_ =	strace $0x90000047  }
0x121: {  	s0 =	sadd.s32 @!p0 $0x100000, s0;
	[bflag:$0x2] =	sbarrier.arrive $0xFFFF  }
0x122: {  	[sflag:s0] =	ssyncadd.tile.s32 @!p0 $0x1;
	_ =	shalt  }
.Lfunc_end2:
_tile_overlayer_lowered:
.L_overlay_start_2:
0x123: {  	(tag) =	ssettag $0x2  }
0x124: {  	s0 =	rddreg [dreg:$0x0];
	s2 =	stileid.u32  }
0x125: {  	s1 =	rddreg [dreg:$0x1];
	p0 =	sne.s32 s2, $0x0  }
0x126: {  	s3 =	rddreg [dreg:$0x2];
	[bflag:$0x3] =	sbarrier.arrive $0xFFFF;
	s2 =	simm.s32 @!p0 $0x1C02  }
0x127: {  	[timem:s3], [sflag:s2] =	dma.local @!p0 [hbm:s0], s1  }
0x128: {  	s0 =	simm.s32 @!p0 $0x2  }
0x129: {  	_ =	swait.ge @!p0 [sflag:s0], s1  }
0x12a: {  	s1 =	ssub.s32 @!p0 $0x0, s1;
	[sflag:s0] =	ssyncset.done @!p0 $0x0  }
0x12b: {  	[sflag:s0] =	ssyncadd.s32 @!p0 s1  }
0x12c: {  	[bflag:$0x3] =	sbarrier.arrive $0xFFFF  }
0x12d: {  	_ =	shalt  }

// kernel: kernel.7.cloned.1.call-start
scs
__scs_entry_jumppad:
0x0: {  	(pc) =	sbr.rel $0x88, $3  }
0x1: {  	(tag) =	ssettag $0x0;
	lr =	simm.s32 $0x1  }
0x2: {  	[smem:$0x3F9E] =	sst lr;
	_ =	strace $0xD0000000  }
0x3: {  	_ = 	snop  }
0x4: {  	_ = 	snop  }
0x5: {  	_ = 	snop  }
0x6: {  	_ = 	snop  }
0x7: {  	_ = 	snop  }
__scs_overlays_trampoline_lowered:
0x8: {  	[smem:$0x3FAD] =	sst s0  }
0x9: {  	[smem:$0x3FAE] =	sst s1  }
0xa: {  	[smem:$0x3FAF] =	sst s2  }
0xb: {  	[smem:$0x3FB0] =	sst s3  }
0xc: {  	[smem:$0x3FB1] =	sst s4  }
0xd: {  	[smem:$0x3FB2] =	sst s5  }
0xe: {  	[smem:$0x3FB3] =	sst s6  }
0xf: {  	[smem:$0x3FB4] =	sst s7  }
0x10: {  	[smem:$0x3FB5] =	sst s8  }
0x11: {  	[smem:$0x3FB6] =	sst s9;
	s0 =	simm.s32 @!p0 $0x0  }
0x12: {  	s1 =	sld [smem:$0x3F9C];
	s0 =	simm.s32 @p0 $0x1  }
0x13: {  	[smem:$0x3FB7] =	sst s0;
	s0 =	simm.s32 @!p1 $0x0  }
0x14: {  	s2 =	sld [smem:$0x3F9B];
	s0 =	simm.s32 @p1 $0x1  }
0x15: {  	[smem:$0x3FB8] =	sst s0;
	s0 =	simm.s32 @!p2 $0x0  }
0x16: {  	s3 =	sld [smem:$0x3FDB];
	s0 =	simm.s32 @p2 $0x1  }
0x17: {  	s4 =	simm.s32 $0x1BF5;
	[smem:$0x3FBA] =	sst s0  }
0x18: {  	s0 =	sld [smem:$0x3F9D];
	_ =	swait.ge [sflag:s4], $0x0  }
0x19: {  	s7 =	sld [smem:$0x3F9E]  }
0x1a: {  	s8 =	sadd.s32 $0xFFFFE003, lr  }
0x1b: {  	s9 =	sadd.s32 $0xFFFFFEF7, lr;
	s5 =	simm.s32 $0xFFFFFFFF;
	p2 =	slt.u32 s8, $0xFFFFF086  }
0x1c: {  	p1 =	slt.u32 s9, $0xF7A;
	s5 =	simm.s32 @!p2 $0x0  }
0x1d: {  	s5 =	simm.s32 @p1 $0x1;
	p0 =	seq.s32 s7, s2  }
0x1e: {  	s7 =	smul.u32 @!p0 $0xF7A, s2;
	p2 =	seq.s32 @!p0 s5, $0x0  }
0x1f: {  	s9 =	smul.u32 $0xF7A, s1;
	s8 =	simm.s32 @!p0 $0x1BF5;
	p2 =	por !p2, p0  }
0x20: {  	[sflag:s8] =	ssyncset.s32 @!p0 $0xFFFFF086;
	s6 =	sadd.s32 @!p0 s3, s7;
	s7 =	simm.s32 @!p0 $0x108  }
0x21: {  	s3 =	sadd.s32 s3, s9;
	s6 =	sadd.s32 @!p0 $0x88, s6;
	s7 =	simm.s32 @p2 $0x1082  }
0x22: {  	[simem:s7], [sflag:s8] =	dma.local @!p0 [hbm:s6], $0xF7A  }
0x23: {  	s9 =	sor.u32 $0xD0000000, s2;
	s6 =	simm.s32 $0x108;
	_ =	swait.ge @!p0 [sflag:s8], $0x0  }
0x24: {  	s3 =	sadd.s32 $0x88, s3;
	s6 =	simm.s32 @!p1 $0x1082;
	[sflag:s4] =	ssyncset.s32 $0xFFFFF086  }
0x25: {  	[simem:s6], [sflag:s4] =	dma.local [hbm:s3], $0xF7A  }
0x26: {  	[smem:$0x3F9E] =	sst s1;
	(tag) =	ssettag s2;
	_ =	strace s9  }
0x27: {  	s1 =	sld [smem:$0x3FAE]  }
0x28: {  	s2 =	sld [smem:$0x3FAF]  }
0x29: {  	s4 =	sld [smem:$0x3FB1]  }
0x2a: {  	p0 =	seq.s32 s5, $0x0;
	s5 =	sld [smem:$0x3FB2]  }
0x2b: {  	s6 =	sld [smem:$0x3FB3]  }
0x2c: {  	s7 =	sld [smem:$0x3FB4]  }
0x2d: {  	s3 =	simm.s32 $0x108;
	s8 =	sld [smem:$0x3FB5]  }
0x2e: {  	s3 =	simm.s32 @!p0 $0x1082;
	s9 =	sld [smem:$0x3FB6]  }
0x2f: {  	lr =	sadd.s32 s0, s3;
	s0 =	sld [smem:$0x3FAD]  }
0x30: {  	s3 =	sld [smem:$0x3FB0]  }
0x31: {  	[smem:$0x3FB9] =	sst s10  }
0x32: {  	s10 =	sld [smem:$0x3FB7];
	_ =	sdelay $0x3  }
0x33: {  	p0 =	seq.s32 s10, $0x1;
	s10 =	sld [smem:$0x3FB9];
	_ =	sdelay $0x3  }
0x34: {  	[smem:$0x3FB9] =	sst s10  }
0x35: {  	s10 =	sld [smem:$0x3FB8];
	_ =	sdelay $0x3  }
0x36: {  	p1 =	seq.s32 s10, $0x1;
	s10 =	sld [smem:$0x3FB9];
	_ =	sdelay $0x3  }
0x37: {  	[smem:$0x3FB9] =	sst s10  }
0x38: {  	s10 =	sld [smem:$0x3FBA]  }
0x39: {  	_ = 	snop;
	(pc) =	sbr.ind lr, $3  }
0x3a: {  	_ = 	snop  }
0x3b: {  	_ = 	snop  }
0x3c: {  	p2 =	seq.s32 s10, $0x1;
	s10 =	sld [smem:$0x3FB9]  }
0x3d: {  	_ =	shalt  }
0x3e: {  	_ =	shalt  }
0x3f: {  	_ =	shalt  }
0x40: {  	_ =	shalt  }
0x41: {  	_ =	shalt  }
0x42: {  	_ =	shalt  }
0x43: {  	_ =	shalt  }
0x44: {  	_ =	shalt  }
0x45: {  	_ =	shalt  }
0x46: {  	_ =	shalt  }
0x47: {  	_ =	shalt  }
0x48: {  	_ =	shalt  }
0x49: {  	_ =	shalt  }
0x4a: {  	_ =	shalt  }
0x4b: {  	_ =	shalt  }
0x4c: {  	_ =	shalt  }
0x4d: {  	_ =	shalt  }
0x4e: {  	_ =	shalt  }
0x4f: {  	_ =	shalt  }
0x50: {  	_ =	shalt  }
0x51: {  	_ =	shalt  }
0x52: {  	_ =	shalt  }
0x53: {  	_ =	shalt  }
0x54: {  	_ =	shalt  }
0x55: {  	_ =	shalt  }
0x56: {  	_ =	shalt  }
0x57: {  	_ =	shalt  }
0x58: {  	_ =	shalt  }
0x59: {  	_ =	shalt  }
0x5a: {  	_ =	shalt  }
0x5b: {  	_ =	shalt  }
0x5c: {  	_ =	shalt  }
0x5d: {  	_ =	shalt  }
0x5e: {  	_ =	shalt  }
0x5f: {  	_ =	shalt  }
0x60: {  	_ =	shalt  }
0x61: {  	_ =	shalt  }
0x62: {  	_ =	shalt  }
0x63: {  	_ =	shalt  }
0x64: {  	_ =	shalt  }
0x65: {  	_ =	shalt  }
0x66: {  	_ =	shalt  }
0x67: {  	_ =	shalt  }
0x68: {  	_ =	shalt  }
0x69: {  	_ =	shalt  }
0x6a: {  	_ =	shalt  }
0x6b: {  	_ =	shalt  }
0x6c: {  	_ =	shalt  }
0x6d: {  	_ =	shalt  }
0x6e: {  	_ =	shalt  }
0x6f: {  	_ =	shalt  }
0x70: {  	_ =	shalt  }
0x71: {  	_ =	shalt  }
0x72: {  	_ =	shalt  }
0x73: {  	_ =	shalt  }
0x74: {  	_ =	shalt  }
0x75: {  	_ =	shalt  }
0x76: {  	_ =	shalt  }
0x77: {  	_ =	shalt  }
0x78: {  	_ =	shalt  }
0x79: {  	_ =	shalt  }
0x7a: {  	_ =	shalt  }
0x7b: {  	_ =	shalt  }
0x7c: {  	_ =	shalt  }
0x7d: {  	_ =	shalt  }
0x7e: {  	_ =	shalt  }
0x7f: {  	_ =	shalt  }
0x80: {  	_ =	shalt  }
0x81: {  	_ =	shalt  }
0x82: {  	_ =	shalt  }
0x83: {  	_ =	shalt  }
0x84: {  	_ =	shalt  }
0x85: {  	_ =	shalt  }
0x86: {  	_ =	shalt  }
0x87: {  	_ =	shalt  }
.Lfunc_end0:
.L_simem_size_0:
called_computation.3_lowered:
.L_overlay_start_0:
0x88: {  	s2 =	sld [smem:$0x3FD9]  }
0x89: {  	s3 =	sld [smem:$0x3FFE];
	_ =	sdelay $0x1  }
0x8a: {  	s1 =	srdreg.scid  }
0x8b: {  	s0 =	sand.u32 $0x1, s1  }
0x8c: {  	s15 =	sshll.u32 s0, $0xA;
	s2 =	sadd.s32 s3, s2  }
0x8d: {  	s2 =	sadd.s32 s2, s15  }
0x8e: {  	[smem:$0x3FC5] =	sst s2  }
0x8f: {  	_ = 	snop  }
0x90: {  	s2 =	sld [smem:$0x3FD0];
	_ =	sdelay $0x2  }
0x91: {  	s16 =	simm.s32 $0xB;
	s4 =	simm.s32 $0x10  }
0x92: {  	[smem:s4], [sflag:s16] =	dma.local [hbm:s2], $0x1  }
0x93: {  	_ =	swait.eq [sflag:s16], $0x1  }
0x94: {  	[sflag:s16] =	ssyncset.done $0x0  }
0x95: {  	[sflag:s16] =	ssyncadd.s32 $0xFFFFFFFF  }
0x96: {  	s17 =	sld [smem:$0x12];
	(tm) =	ssettm $0x1  }
0x97: {  	s18 =	sld [smem:$0x3FFB];
	_ =	sdelay $0x3  }
0x98: {  	_ =	strace s18  }
0x99: {  	s2 =	sld [smem:$0x3FFC];
	_ =	sdelay $0x3  }
0x9a: {  	_ =	strace s2  }
0x9b: {  	s2 =	sld [smem:$0x3FFD];
	_ =	sdelay $0x3  }
0x9c: {  	_ =	strace s2  }
0x9d: {  	_ =	strace $0x8FFFFFFF  }
0x9e: {  	s19 =	sld [smem:$0x3FDB];
	_ =	sdelay $0x1  }
0x9f: {  	s20 =	simm.s32 $_scs_section_size  }
0xa0: {  	s5 =	simm.s32 $_size__tile_overlayer_lowered;
	s6 =	simm.s32 $_tile_overlayer_lowered  }
0xa1: {  	s7 =	simm.s32 $0x1BFF;
	s21 =	sshll.u32 s6, $0x1;
	s4 =	sadd.s32 s20, s19  }
0xa2: {  	s22 =	simm.s32 $0x0;
	s5 =	sshll.u32 s5, $0x1;
	s6 =	sadd.s32 s21, s4  }
0xa3: {  	[timem:s22], [sflag:s7] =	dma.local [hbm:s6], s5  }
0xa4: {  	_ =	swait.ge [sflag:s7], s5  }
0xa5: {  	s5 =	ssub.s32 $0x0, s5;
	[sflag:s7] =	ssyncset.done $0x0  }
0xa6: {  	[sflag:s7] =	ssyncadd.s32 s5;
	_ =	sdelay $0x1  }
0xa7: {  	s23 =	simm.s32 $0x1B8B  }
0xa8: {  	_ =	swait.ge [sflag:s23], $0x1  }
0xa9: {  	[sflag:s23] =	ssyncset.done $0x0  }
0xaa: {  	[sflag:s23] =	ssyncadd.s32 $0xFFFFFFFF  }
0xab: {  	s5 =	sld [smem:$0x0]  }
0xac: {  	s6 =	sand.u32 $0xFFFFFFFE, s1  }
0xad: {  	p0 =	sne.s32 s1, s6  }
0xae: {  	s6 =	sshll.u32 @p0 s6, $0xE  }
0xaf: {  	s6 =	sadd.s32 @p0 $0x11B8D, s6;
	s7 =	sshll.u32 @p0 s5, $0x11  }
0xb0: {  	s6 =	sor.u32 @p0 s7, s6  }
0xb1: {  	[sflag:s6] =	ssyncadd.remote.s32 @p0 $0x1;
	_ =	sdelay $0x1  }
0xb2: {  	s6 =	simm.s32 @p0 $0x1B8D  }
0xb3: {  	_ =	swait.eq @p0 [sflag:s6], $0x1  }
0xb4: {  	[sflag:s6] =	ssyncadd.s32 @p0 $0xFFFFFFFF  }
0xb5: {  	s7 =	sshll.u32 @!p0 s1, $0xE  }
0xb6: {  	s7 =	sor.u32 @!p0 $0x4000, s7;
	s6 =	simm.s32 @!p0 $0x1B8D  }
0xb7: {  	s5 =	sshll.u32 @!p0 s5, $0x11;
	s7 =	sadd.s32 @!p0 $0x11B8D, s7;
	_ =	swait.eq @!p0 [sflag:s6], $0x1  }
0xb8: {  	s5 =	sor.u32 @!p0 s5, s7;
	[sflag:s6] =	ssyncadd.s32 @!p0 $0xFFFFFFFF  }
0xb9: {  	s25 =	simm.s32 $0x1B8E;
	s24 =	sld [smem:$0x3FFE];
	[sflag:s5] =	ssyncadd.remote.s32 @!p0 $0x1  }
0xba: {  	s26 =	simm.s32 $execute0_lowered;
	[smem:$0x3FD2] =	sst s25  }
0xbb: {  	s6 =	sshll.u32 s26, $0x1;
	_ =	strace $0x80000049;
	[dreg:$0x1] =	wrdreg $0xFFFFFFFF  }
0xbc: {  	s28 =	simm.s32 $_size_execute0_lowered;
	s4 =	sadd.s32 s4, s6;
	[dreg:$0x0] =	wrdreg $0x0  }
0xbd: {  	s6 =	sshll.u32 s28, $0x1;
	[dreg:$0x2] =	wrdreg s4  }
0xbe: {  	[dreg:$0x3] =	wrdreg s6  }
0xbf: {  	[dreg:$0x4] =	wrdreg $0xC0  }
0xc0: {  	_ =	task [dreg:s22], $0x5FFFF  }
0xc1: {  	[dreg:$0x1] =	wrdreg $0xFFFFFFFF  }
0xc2: {  	[dreg:$0x0] =	wrdreg $0x60  }
0xc3: {  	[dreg:$0x2] =	wrdreg s17  }
0xc4: {  	[dreg:$0x3] =	wrdreg s24  }
0xc5: {  	[dreg:$0x4] =	wrdreg $0xA  }
0xc6: {  	_ =	task.clear_ibuf [dreg:s22], $0x5FFFF;
	_ =	strace $0x90000049  }
0xc7: {  	s29 =	simm.s32 $0xA;
	_ =	strace $0x8000004B  }
0xc8: {  	_ =	swait.ge [sflag:s29], $0x1  }
0xc9: {  	[sflag:s29] =	ssyncadd.s32 $0xFFFFFFFF  }
0xca: {  	_ =	strace $0x9000004B  }
0xcb: {  	_ =	sfence  }
0xcc: {  	s30 =	sld [smem:$0x0];
	_ =	sdelay $0x2  }
0xcd: {  	s31 =	sshll.u32 s1, $0xD;
	s1 =	sshrl.u32 s1, $0x2  }
0xce: {  	s4 =	sand.u32 $0x4000, s31;
	s1 =	sadd.s32 s1, s30  }
0xcf: {  	s0 =	sor.u32 s4, s0;
	s1 =	sshll.u32 s1, $0x11  }
0xd0: {  	s0 =	sor.u32 s1, s0  }
0xd1: {  	s0 =	sadd.s32 $0x8F2B, s0  }
0xd2: {  	[sflag:s0] =	ssyncadd.remote.s32 $0x1  }
0xd3: {  	_ =	sfence.sel $0xFFFF  }
0xd4: {  	[dreg:$0x0] =	wrdreg $0xFFFFFFFF;
	(pc) =	sbr.abs _section_cstart, $3  }
0xd5: {  	[dreg:$0x1] =	wrdreg $0xFFFFFFFF  }
0xd6: {  	_ =	task.clear_ibuf [dreg:s22], $0x2FFFF;
	_ =	strace $0x9FFFFFFF  }
0xd7: {  	(tm) =	ssettm $0x7FFFFFFF  }
tec
execute0_lowered:
.L_overlay_start_1:
0x0: {  	(tag) =	ssettag $0x1  }
0x1: {  	s4 =	rddreg [dreg:$0x0]  }
0x2: {  	s5 =	rddreg [dreg:$0x1]  }
0x3: {  	s0 =	rddreg [dreg:$0x2]  }
0x4: {  	s2 =	simm.s32 $0x0;
	s1 =	stileid.u32;
	s3 =	srdreg.scid  }
0x5: {  	s24 =	simm.s32 $0x6C00;
	s25 =	simm.s32 $0x7080;
	s26 =	simm.s32 $0x7880  }
0x6: {  	s28 =	simm.s32 $0x7D00;
	s29 =	simm.s32 $0x8500;
	s30 =	simm.s32 $0x8980  }
0x7: {  	s11 =	simm.s32 $0x9180;
	s12 =	simm.s32 $0x9E00;
	[smem:$0x7FF] =	sst s2  }
0x8: {  	s31 =	simm.s32 $0xA280;
	_ =	strace $0x8000004A;
	[dreg:$0x3] =	wrdreg s24  }
0x9: {  	s13 =	simm.s32 $0xAF00;
	s14 =	simm.s32 $0xB700;
	[dreg:$0x4] =	wrdreg s25  }
0xa: {  	s15 =	simm.s32 $0xBB80;
	s16 =	simm.s32 $0xC380;
	[dreg:$0x5] =	wrdreg s26  }
0xb: {  	s17 =	simm.s32 $0x1;
	s18 =	simm.s32 $0x10;
	[dreg:$0x6] =	wrdreg s28  }
0xc: {  	s19 =	simm.s32 $0x0;
	s6 =	sand.u32 $0x1, s3;
	[dreg:$0x7] =	wrdreg s29  }
0xd: {  	s22 =	sshll.u32 s1, $0x1;
	s7 =	smul.u32 $0xC8000, s1;
	[dreg:$0x8] =	wrdreg s30  }
0xe: {  	s8 =	ssub.s32 $0x2, s6;
	s3 =	sor.u32 s6, s22;
	[dreg:$0x9] =	wrdreg s11  }
0xf: {  	s6 =	smul.u32 $0x64000, s6;
	s11 =	simm.s32 $0x9600;
	[dreg:$0xa] =	wrdreg s12  }
0x10: {  	[dreg:$0xb] =	wrdreg s31;
	s12 =	simm.s32 $0xAA80;
	s9 =	sshrl.u32 s8, $0x1  }
0x11: {  	s10 =	smul.u32 $0xC80, s3;
	s3 =	sadd.s32 $0xC81000, s5;
	s7 =	sadd.s32 s7, s5  }
0x12: {  	s23 =	ssub.s32 s8, s9;
	s6 =	sadd.s32 s6, s7;
	s7 =	simm.s32 $0x2  }
0x13: {  	s8 =	simm.s32 $0x80;
	s9 =	simm.s32 $0x6400;
	s4 =	sadd.s32 s4, s10  }
0x14: {  	s5 =	smax.u32 s23, $0x1;
	s6 =	sadd.s32 $0x112BA00, s6;
	s10 =	simm.s32 $0x48  }
.LBB2_1:
0x15: {  	[tilespmem:s2], [sflag:$0x2] =	stream.linear.gather [hbm4b:s4+s2], $0x6400, $0x38;
	[tilespmem:$0xC800] =	vst v63  }
0x16: {  	_ =	swait.ge [sflag:s7], $0x6400  }
0x17: {  	[sflag:s7] =	ssyncset.done $0x0  }
0x18: {  	s20 =	simm.s32 $0x0;
	[sflag:s7] =	ssyncadd.s32 $0xFFFF9C00  }
0x19: {  	[tilespmem:s9], [sflag:$0x1] =	stream.indirect.gather [hbm4b:s3+s8], $0x10, s20, s8, $0xb8;
	[tilespmem:$0xC800] =	vst v63  }
0x1a: {  	s25 =	simm.s32 $0x80;
	s21 =	rddreg [dreg:$0x3]  }
0x1b: {  	[tilespmem:s21], [sflag:$0x1] =	stream.indirect.gather [hbm4b:s3+s10], $0x10, s25, s10, $0xb8;
	[tilespmem:$0xC800] =	vst v63  }
0x1c: {  	s28 =	simm.s32 $0xC8;
	s22 =	rddreg [dreg:$0x4]  }
0x1d: {  	[tilespmem:s22], [sflag:$0x1] =	stream.indirect.gather [hbm4b:s3+s8], $0x10, s28, s8, $0xb8;
	[tilespmem:$0xC800] =	vst v63  }
0x1e: {  	s29 =	simm.s32 $0x148;
	s26 =	rddreg [dreg:$0x5]  }
0x1f: {  	[tilespmem:s26], [sflag:$0x1] =	stream.indirect.gather [hbm4b:s3+s10], $0x10, s29, s10, $0xb8;
	[tilespmem:$0xC800] =	vst v63  }
0x20: {  	s23 =	simm.s32 $0x190;
	s30 =	rddreg [dreg:$0x6]  }
0x21: {  	[tilespmem:s30], [sflag:$0x1] =	stream.indirect.gather [hbm4b:s3+s8], $0x10, s23, s8, $0xb8;
	[tilespmem:$0xC800] =	vst v63  }
0x22: {  	s24 =	simm.s32 $0x210;
	s31 =	rddreg [dreg:$0x7]  }
0x23: {  	[tilespmem:s31], [sflag:$0x1] =	stream.indirect.gather [hbm4b:s3+s10], $0x10, s24, s10, $0xb8;
	[tilespmem:$0xC800] =	vst v63  }
0x24: {  	s25 =	rddreg [dreg:$0x8];
	s26 =	simm.s32 $0x258  }
0x25: {  	[tilespmem:s25], [sflag:$0x1] =	stream.indirect.gather [hbm4b:s3+s8], $0x10, s26, s8, $0xb8;
	[tilespmem:$0xC800] =	vst v63  }
0x26: {  	s28 =	rddreg [dreg:$0x9];
	s29 =	simm.s32 $0x2D8  }
0x27: {  	[tilespmem:s28], [sflag:$0x1] =	stream.indirect.gather [hbm4b:s3+s10], $0x10, s29, s10, $0xb8;
	[tilespmem:$0xC800] =	vst v63  }
0x28: {  	s30 =	simm.s32 $0x320  }
0x29: {  	[tilespmem:s11], [sflag:$0x1] =	stream.indirect.gather [hbm4b:s3+s8], $0x10, s30, s8, $0xb8;
	[tilespmem:$0xC800] =	vst v63  }
0x2a: {  	s22 =	simm.s32 $0x3A0;
	s31 =	rddreg [dreg:$0xa]  }
0x2b: {  	[tilespmem:s31], [sflag:$0x1] =	stream.indirect.gather [hbm4b:s3+s10], $0x10, s22, s10, $0xb8;
	[tilespmem:$0xC800] =	vst v63  }
0x2c: {  	s23 =	rddreg [dreg:$0xb];
	s24 =	simm.s32 $0x3E8  }
0x2d: {  	[tilespmem:s23], [sflag:$0x1] =	stream.indirect.gather [hbm4b:s3+s8], $0x10, s24, s8, $0xb8;
	[tilespmem:$0xC800] =	vst v63  }
0x2e: {  	s25 =	simm.s32 $0x468  }
0x2f: {  	[tilespmem:s12], [sflag:$0x1] =	stream.indirect.gather [hbm4b:s3+s10], $0x10, s25, s10, $0xb8;
	[tilespmem:$0xC800] =	vst v63  }
0x30: {  	s26 =	simm.s32 $0x4B0  }
0x31: {  	[tilespmem:s13], [sflag:$0x1] =	stream.indirect.gather [hbm4b:s3+s8], $0x10, s26, s8, $0xb8;
	[tilespmem:$0xC800] =	vst v63  }
0x32: {  	s28 =	simm.s32 $0x530  }
0x33: {  	[tilespmem:s14], [sflag:$0x1] =	stream.indirect.gather [hbm4b:s3+s10], $0x10, s28, s10, $0xb8;
	[tilespmem:$0xC800] =	vst v63  }
0x34: {  	s29 =	simm.s32 $0x578  }
0x35: {  	[tilespmem:s15], [sflag:$0x1] =	stream.indirect.gather [hbm4b:s3+s8], $0x10, s29, s8, $0xb8;
	[tilespmem:$0xC800] =	vst v63  }
0x36: {  	s30 =	simm.s32 $0x5F8  }
0x37: {  	[tilespmem:s16], [sflag:$0x1] =	stream.indirect.gather [hbm4b:s3+s10], $0x10, s30, s10, $0xb8;
	[tilespmem:$0xC800] =	vst v63  }
0x38: {  	_ =	swait.ge [sflag:s17], $0x800  }
0x39: {  	[sflag:s17] =	ssyncset.done $0x0  }
0x3a: {  	[sflag:s17] =	ssyncadd.s32 $0xFFFFF800  }
0x3b: {  	_ =	swait.ge [sflag:s17], $0x480  }
0x3c: {  	[sflag:s17] =	ssyncset.done $0x0  }
0x3d: {  	[sflag:s17] =	ssyncadd.s32 $0xFFFFFB80  }
0x3e: {  	_ =	swait.ge [sflag:s17], $0x800  }
0x3f: {  	[sflag:s17] =	ssyncset.done $0x0  }
0x40: {  	[sflag:s17] =	ssyncadd.s32 $0xFFFFF800  }
0x41: {  	_ =	swait.ge [sflag:s17], $0x480  }
0x42: {  	[sflag:s17] =	ssyncset.done $0x0  }
0x43: {  	[sflag:s17] =	ssyncadd.s32 $0xFFFFFB80  }
0x44: {  	_ =	swait.ge [sflag:s17], $0x800  }
0x45: {  	[sflag:s17] =	ssyncset.done $0x0  }
0x46: {  	[sflag:s17] =	ssyncadd.s32 $0xFFFFF800  }
0x47: {  	_ =	swait.ge [sflag:s17], $0x480  }
0x48: {  	[sflag:s17] =	ssyncset.done $0x0  }
0x49: {  	[sflag:s17] =	ssyncadd.s32 $0xFFFFFB80  }
0x4a: {  	_ =	swait.ge [sflag:s17], $0x800  }
0x4b: {  	[sflag:s17] =	ssyncset.done $0x0  }
0x4c: {  	[sflag:s17] =	ssyncadd.s32 $0xFFFFF800  }
0x4d: {  	_ =	swait.ge [sflag:s17], $0x480  }
0x4e: {  	[sflag:s17] =	ssyncset.done $0x0  }
0x4f: {  	[sflag:s17] =	ssyncadd.s32 $0xFFFFFB80  }
0x50: {  	[hbm4b:s6+s18] =	stream.strided.scatter [tilespmem:s9], [sflag:$0x2], $0x3200, s8, s18, $0x38;
	[tilespmem:$0xC800] =	vst v63  }
0x51: {  	_ =	swait.ge [sflag:s7], $0x3200  }
0x52: {  	[sflag:s7] =	ssyncset.done $0x0  }
0x53: {  	[sflag:s7] =	ssyncadd.s32 $0xFFFFCE00  }
0x54: {  	_ =	swait.ge [sflag:s17], $0x800  }
0x55: {  	[sflag:s17] =	ssyncset.done $0x0  }
0x56: {  	[sflag:s17] =	ssyncadd.s32 $0xFFFFF800  }
0x57: {  	_ =	swait.ge [sflag:s17], $0x480  }
0x58: {  	[sflag:s17] =	ssyncset.done $0x0  }
0x59: {  	[sflag:s17] =	ssyncadd.s32 $0xFFFFFB80  }
0x5a: {  	_ =	swait.ge [sflag:s17], $0x800  }
0x5b: {  	[sflag:s17] =	ssyncset.done $0x0  }
0x5c: {  	[sflag:s17] =	ssyncadd.s32 $0xFFFFF800  }
0x5d: {  	_ =	swait.ge [sflag:s17], $0x480  }
0x5e: {  	[sflag:s17] =	ssyncset.done $0x0  }
0x5f: {  	[sflag:s17] =	ssyncadd.s32 $0xFFFFFB80  }
0x60: {  	_ =	swait.ge [sflag:s17], $0x800  }
0x61: {  	[sflag:s17] =	ssyncset.done $0x0  }
0x62: {  	[sflag:s17] =	ssyncadd.s32 $0xFFFFF800  }
0x63: {  	_ =	swait.ge [sflag:s17], $0x480  }
0x64: {  	[sflag:s17] =	ssyncset.done $0x0  }
0x65: {  	[sflag:s17] =	ssyncadd.s32 $0xFFFFFB80  }
0x66: {  	_ =	swait.ge [sflag:s17], $0x800  }
0x67: {  	[sflag:s17] =	ssyncset.done $0x0  }
0x68: {  	[sflag:s17] =	ssyncadd.s32 $0xFFFFF800  }
0x69: {  	_ =	swait.ge [sflag:s17], $0x480  }
0x6a: {  	[sflag:s17] =	ssyncset.done $0x0  }
0x6b: {  	s20 =	sadd.s32 $0x6400, s6;
	s31 =	sadd.s32 $0x3200, s6;
	[sflag:s17] =	ssyncadd.s32 $0xFFFFFB80  }
0x6c: {  	[hbm4b:s31+s18] =	stream.strided.scatter [tilespmem:s11], [sflag:$0x2], $0x3200, s8, s18, $0x38;
	[tilespmem:$0xC800] =	vst v63  }
0x6d: {  	s21 =	simm.s32 $0x1900;
	s22 =	simm.s32 $0x3200;
	_ =	swait.ge [sflag:s7], $0x3200  }
.LBB2_2:
0x6e: {  	[sflag:s7] =	ssyncset.done $0x0  }
0x6f: {  	s23 =	sshra.s32 s21, $0x2;
	[sflag:s7] =	ssyncadd.s32 $0xFFFFCE00  }
0x70: {  	[tilespmem:s9], [sflag:$0x1] =	stream.indirect.gather [hbm4b:s3+s8], $0x10, s23, s8, $0xb8;
	[tilespmem:$0xC800] =	vst v63  }
0x71: {  	s24 =	rddreg [dreg:$0x3];
	s25 =	sadd.s32 $0x80, s23  }
0x72: {  	[tilespmem:s24], [sflag:$0x1] =	stream.indirect.gather [hbm4b:s3+s10], $0x10, s25, s10, $0xb8;
	[tilespmem:$0xC800] =	vst v63  }
0x73: {  	s28 =	rddreg [dreg:$0x4];
	s25 =	sadd.s32 $0xC8, s23  }
0x74: {  	[tilespmem:s28], [sflag:$0x1] =	stream.indirect.gather [hbm4b:s3+s8], $0x10, s25, s8, $0xb8;
	[tilespmem:$0xC800] =	vst v63  }
0x75: {  	s26 =	rddreg [dreg:$0x5];
	s30 =	sadd.s32 $0x148, s23  }
0x76: {  	[tilespmem:s26], [sflag:$0x1] =	stream.indirect.gather [hbm4b:s3+s10], $0x10, s30, s10, $0xb8;
	[tilespmem:$0xC800] =	vst v63  }
0x77: {  	s31 =	rddreg [dreg:$0x6];
	s24 =	sadd.s32 $0x190, s23  }
0x78: {  	[tilespmem:s31], [sflag:$0x1] =	stream.indirect.gather [hbm4b:s3+s8], $0x10, s24, s8, $0xb8;
	[tilespmem:$0xC800] =	vst v63  }
0x79: {  	s29 =	rddreg [dreg:$0x7];
	s30 =	sadd.s32 $0x210, s23  }
0x7a: {  	[tilespmem:s29], [sflag:$0x1] =	stream.indirect.gather [hbm4b:s3+s10], $0x10, s30, s10, $0xb8;
	[tilespmem:$0xC800] =	vst v63  }
0x7b: {  	s26 =	rddreg [dreg:$0x8];
	s31 =	sadd.s32 $0x258, s23  }
0x7c: {  	[tilespmem:s26], [sflag:$0x1] =	stream.indirect.gather [hbm4b:s3+s8], $0x10, s31, s8, $0xb8;
	[tilespmem:$0xC800] =	vst v63  }
0x7d: {  	s29 =	sadd.s32 $0x2D8, s23;
	s30 =	rddreg [dreg:$0x9]  }
0x7e: {  	[tilespmem:s30], [sflag:$0x1] =	stream.indirect.gather [hbm4b:s3+s10], $0x10, s29, s10, $0xb8;
	[tilespmem:$0xC800] =	vst v63  }
0x7f: {  	s31 =	sadd.s32 $0x320, s23  }
0x80: {  	[tilespmem:s11], [sflag:$0x1] =	stream.indirect.gather [hbm4b:s3+s8], $0x10, s31, s8, $0xb8;
	[tilespmem:$0xC800] =	vst v63  }
0x81: {  	s26 =	sadd.s32 $0x3A0, s23;
	s29 =	rddreg [dreg:$0xa]  }
0x82: {  	[tilespmem:s29], [sflag:$0x1] =	stream.indirect.gather [hbm4b:s3+s10], $0x10, s26, s10, $0xb8;
	[tilespmem:$0xC800] =	vst v63  }
0x83: {  	s30 =	sadd.s32 $0x3E8, s23;
	s31 =	rddreg [dreg:$0xb]  }
0x84: {  	[tilespmem:s31], [sflag:$0x1] =	stream.indirect.gather [hbm4b:s3+s8], $0x10, s30, s8, $0xb8;
	[tilespmem:$0xC800] =	vst v63  }
0x85: {  	s26 =	sadd.s32 $0x468, s23  }
0x86: {  	[tilespmem:s12], [sflag:$0x1] =	stream.indirect.gather [hbm4b:s3+s10], $0x10, s26, s10, $0xb8;
	[tilespmem:$0xC800] =	vst v63  }
0x87: {  	s28 =	sadd.s32 $0x4B0, s23  }
0x88: {  	[tilespmem:s13], [sflag:$0x1] =	stream.indirect.gather [hbm4b:s3+s8], $0x10, s28, s8, $0xb8;
	[tilespmem:$0xC800] =	vst v63  }
0x89: {  	s29 =	sadd.s32 $0x530, s23  }
0x8a: {  	[tilespmem:s14], [sflag:$0x1] =	stream.indirect.gather [hbm4b:s3+s10], $0x10, s29, s10, $0xb8;
	[tilespmem:$0xC800] =	vst v63  }
0x8b: {  	s30 =	sadd.s32 $0x578, s23  }
0x8c: {  	[tilespmem:s15], [sflag:$0x1] =	stream.indirect.gather [hbm4b:s3+s8], $0x10, s30, s8, $0xb8;
	[tilespmem:$0xC800] =	vst v63  }
0x8d: {  	s23 =	sadd.s32 $0x5F8, s23  }
0x8e: {  	[tilespmem:s16], [sflag:$0x1] =	stream.indirect.gather [hbm4b:s3+s10], $0x10, s23, s10, $0xb8;
	[tilespmem:$0xC800] =	vst v63  }
0x8f: {  	_ =	swait.ge [sflag:s17], $0x800  }
0x90: {  	[sflag:s17] =	ssyncset.done $0x0  }
0x91: {  	[sflag:s17] =	ssyncadd.s32 $0xFFFFF800  }
0x92: {  	_ =	swait.ge [sflag:s17], $0x480  }
0x93: {  	[sflag:s17] =	ssyncset.done $0x0  }
0x94: {  	[sflag:s17] =	ssyncadd.s32 $0xFFFFFB80  }
0x95: {  	_ =	swait.ge [sflag:s17], $0x800  }
0x96: {  	[sflag:s17] =	ssyncset.done $0x0  }
0x97: {  	[sflag:s17] =	ssyncadd.s32 $0xFFFFF800  }
0x98: {  	_ =	swait.ge [sflag:s17], $0x480  }
0x99: {  	[sflag:s17] =	ssyncset.done $0x0  }
0x9a: {  	[sflag:s17] =	ssyncadd.s32 $0xFFFFFB80  }
0x9b: {  	_ =	swait.ge [sflag:s17], $0x800  }
0x9c: {  	[sflag:s17] =	ssyncset.done $0x0  }
0x9d: {  	[sflag:s17] =	ssyncadd.s32 $0xFFFFF800  }
0x9e: {  	_ =	swait.ge [sflag:s17], $0x480  }
0x9f: {  	[sflag:s17] =	ssyncset.done $0x0  }
0xa0: {  	[sflag:s17] =	ssyncadd.s32 $0xFFFFFB80  }
0xa1: {  	_ =	swait.ge [sflag:s17], $0x800  }
0xa2: {  	[sflag:s17] =	ssyncset.done $0x0  }
0xa3: {  	[sflag:s17] =	ssyncadd.s32 $0xFFFFF800  }
0xa4: {  	_ =	swait.ge [sflag:s17], $0x480  }
0xa5: {  	[sflag:s17] =	ssyncset.done $0x0  }
0xa6: {  	[sflag:s17] =	ssyncadd.s32 $0xFFFFFB80  }
0xa7: {  	[hbm4b:s20+s18] =	stream.strided.scatter [tilespmem:s9], [sflag:$0x2], $0x3200, s8, s18, $0x38;
	[tilespmem:$0xC800] =	vst v63  }
0xa8: {  	_ =	swait.ge [sflag:s7], $0x3200  }
0xa9: {  	[sflag:s7] =	ssyncset.done $0x0  }
0xaa: {  	[sflag:s7] =	ssyncadd.s32 $0xFFFFCE00  }
0xab: {  	_ =	swait.ge [sflag:s17], $0x800  }
0xac: {  	[sflag:s17] =	ssyncset.done $0x0  }
0xad: {  	[sflag:s17] =	ssyncadd.s32 $0xFFFFF800  }
0xae: {  	_ =	swait.ge [sflag:s17], $0x480  }
0xaf: {  	[sflag:s17] =	ssyncset.done $0x0  }
0xb0: {  	[sflag:s17] =	ssyncadd.s32 $0xFFFFFB80  }
0xb1: {  	_ =	swait.ge [sflag:s17], $0x800  }
0xb2: {  	[sflag:s17] =	ssyncset.done $0x0  }
0xb3: {  	[sflag:s17] =	ssyncadd.s32 $0xFFFFF800  }
0xb4: {  	_ =	swait.ge [sflag:s17], $0x480  }
0xb5: {  	[sflag:s17] =	ssyncset.done $0x0  }
0xb6: {  	[sflag:s17] =	ssyncadd.s32 $0xFFFFFB80  }
0xb7: {  	_ =	swait.ge [sflag:s17], $0x800  }
0xb8: {  	[sflag:s17] =	ssyncset.done $0x0  }
0xb9: {  	[sflag:s17] =	ssyncadd.s32 $0xFFFFF800  }
0xba: {  	_ =	swait.ge [sflag:s17], $0x480  }
0xbb: {  	[sflag:s17] =	ssyncset.done $0x0  }
0xbc: {  	[sflag:s17] =	ssyncadd.s32 $0xFFFFFB80  }
0xbd: {  	_ =	swait.ge [sflag:s17], $0x800  }
0xbe: {  	[sflag:s17] =	ssyncset.done $0x0  }
0xbf: {  	p0 =	sne.s32 s22, $0x17700;
	[sflag:s17] =	ssyncadd.s32 $0xFFFFF800  }
.Ltmp0:
0xc0: {  	_ =	swait.ge [sflag:s17], $0x480;
	(pc) =	sbr.rel @p0 .LBB2_2-.Ltmp0, $4  }
0xc1: {  	[sflag:s17] =	ssyncset.done $0x0  }
0xc2: {  	s21 =	smov.u32 s22;
	s31 =	sadd.s32 $0x3200, s20;
	[sflag:s17] =	ssyncadd.s32 $0xFFFFFB80  }
0xc3: {  	[hbm4b:s31+s18] =	stream.strided.scatter [tilespmem:s11], [sflag:$0x2], $0x3200, s8, s18, $0x38;
	[tilespmem:$0xC800] =	vst v63  }
0xc4: {  	s22 =	sadd.s32 $0x1900, s22;
	s20 =	sadd.s32 $0x6400, s20;
	_ =	swait.ge [sflag:s7], $0x3200  }
0xc5: {  	[sflag:s7] =	ssyncset.done $0x0  }
0xc6: {  	s21 =	sshra.s32 s21, $0x2;
	[sflag:s7] =	ssyncadd.s32 $0xFFFFCE00  }
0xc7: {  	[tilespmem:s9], [sflag:$0x1] =	stream.indirect.gather [hbm4b:s3+s8], $0x10, s21, s8, $0xb8;
	[tilespmem:$0xC800] =	vst v63  }
0xc8: {  	s22 =	rddreg [dreg:$0x3];
	s23 =	sadd.s32 $0x80, s21  }
0xc9: {  	[tilespmem:s22], [sflag:$0x1] =	stream.indirect.gather [hbm4b:s3+s10], $0x10, s23, s10, $0xb8;
	[tilespmem:$0xC800] =	vst v63  }
0xca: {  	s24 =	rddreg [dreg:$0x4];
	s31 =	sadd.s32 $0xC8, s21  }
0xcb: {  	[tilespmem:s24], [sflag:$0x1] =	stream.indirect.gather [hbm4b:s3+s8], $0x10, s31, s8, $0xb8;
	[tilespmem:$0xC800] =	vst v63  }
0xcc: {  	s30 =	rddreg [dreg:$0x5];
	s25 =	sadd.s32 $0x148, s21  }
0xcd: {  	[tilespmem:s30], [sflag:$0x1] =	stream.indirect.gather [hbm4b:s3+s10], $0x10, s25, s10, $0xb8;
	[tilespmem:$0xC800] =	vst v63  }
0xce: {  	s26 =	rddreg [dreg:$0x6];
	s29 =	sadd.s32 $0x190, s21  }
0xcf: {  	[tilespmem:s26], [sflag:$0x1] =	stream.indirect.gather [hbm4b:s3+s8], $0x10, s29, s8, $0xb8;
	[tilespmem:$0xC800] =	vst v63  }
0xd0: {  	s28 =	rddreg [dreg:$0x7];
	s30 =	sadd.s32 $0x210, s21  }
0xd1: {  	[tilespmem:s28], [sflag:$0x1] =	stream.indirect.gather [hbm4b:s3+s10], $0x10, s30, s10, $0xb8;
	[tilespmem:$0xC800] =	vst v63  }
0xd2: {  	s23 =	sadd.s32 $0x258, s21;
	s31 =	rddreg [dreg:$0x8]  }
0xd3: {  	[tilespmem:s31], [sflag:$0x1] =	stream.indirect.gather [hbm4b:s3+s8], $0x10, s23, s8, $0xb8;
	[tilespmem:$0xC800] =	vst v63  }
0xd4: {  	s25 =	rddreg [dreg:$0x9];
	s26 =	sadd.s32 $0x2D8, s21  }
0xd5: {  	[tilespmem:s25], [sflag:$0x1] =	stream.indirect.gather [hbm4b:s3+s10], $0x10, s26, s10, $0xb8;
	[tilespmem:$0xC800] =	vst v63  }
0xd6: {  	s28 =	sadd.s32 $0x320, s21  }
0xd7: {  	[tilespmem:s11], [sflag:$0x1] =	stream.indirect.gather [hbm4b:s3+s8], $0x10, s28, s8, $0xb8;
	[tilespmem:$0xC800] =	vst v63  }
0xd8: {  	s29 =	rddreg [dreg:$0xa];
	s30 =	sadd.s32 $0x3A0, s21  }
0xd9: {  	[tilespmem:s29], [sflag:$0x1] =	stream.indirect.gather [hbm4b:s3+s10], $0x10, s30, s10, $0xb8;
	[tilespmem:$0xC800] =	vst v63  }
0xda: {  	s31 =	rddreg [dreg:$0xb];
	s25 =	sadd.s32 $0x3E8, s21  }
0xdb: {  	[tilespmem:s31], [sflag:$0x1] =	stream.indirect.gather [hbm4b:s3+s8], $0x10, s25, s8, $0xb8;
	[tilespmem:$0xC800] =	vst v63  }
0xdc: {  	s26 =	sadd.s32 $0x468, s21  }
0xdd: {  	[tilespmem:s12], [sflag:$0x1] =	stream.indirect.gather [hbm4b:s3+s10], $0x10, s26, s10, $0xb8;
	[tilespmem:$0xC800] =	vst v63  }
0xde: {  	s28 =	sadd.s32 $0x4B0, s21  }
0xdf: {  	[tilespmem:s13], [sflag:$0x1] =	stream.indirect.gather [hbm4b:s3+s8], $0x10, s28, s8, $0xb8;
	[tilespmem:$0xC800] =	vst v63  }
0xe0: {  	s29 =	sadd.s32 $0x530, s21  }
0xe1: {  	[tilespmem:s14], [sflag:$0x1] =	stream.indirect.gather [hbm4b:s3+s10], $0x10, s29, s10, $0xb8;
	[tilespmem:$0xC800] =	vst v63  }
0xe2: {  	s30 =	sadd.s32 $0x578, s21  }
0xe3: {  	[tilespmem:s15], [sflag:$0x1] =	stream.indirect.gather [hbm4b:s3+s8], $0x10, s30, s8, $0xb8;
	[tilespmem:$0xC800] =	vst v63  }
0xe4: {  	s21 =	sadd.s32 $0x5F8, s21  }
0xe5: {  	[tilespmem:s16], [sflag:$0x1] =	stream.indirect.gather [hbm4b:s3+s10], $0x10, s21, s10, $0xb8;
	[tilespmem:$0xC800] =	vst v63  }
0xe6: {  	_ =	swait.ge [sflag:s17], $0x800  }
0xe7: {  	[sflag:s17] =	ssyncset.done $0x0  }
0xe8: {  	[sflag:s17] =	ssyncadd.s32 $0xFFFFF800  }
0xe9: {  	_ =	swait.ge [sflag:s17], $0x480  }
0xea: {  	[sflag:s17] =	ssyncset.done $0x0  }
0xeb: {  	[sflag:s17] =	ssyncadd.s32 $0xFFFFFB80  }
0xec: {  	_ =	swait.ge [sflag:s17], $0x800  }
0xed: {  	[sflag:s17] =	ssyncset.done $0x0  }
0xee: {  	[sflag:s17] =	ssyncadd.s32 $0xFFFFF800  }
0xef: {  	_ =	swait.ge [sflag:s17], $0x480  }
0xf0: {  	[sflag:s17] =	ssyncset.done $0x0  }
0xf1: {  	[sflag:s17] =	ssyncadd.s32 $0xFFFFFB80  }
0xf2: {  	_ =	swait.ge [sflag:s17], $0x800  }
0xf3: {  	[sflag:s17] =	ssyncset.done $0x0  }
0xf4: {  	[sflag:s17] =	ssyncadd.s32 $0xFFFFF800  }
0xf5: {  	_ =	swait.ge [sflag:s17], $0x480  }
0xf6: {  	[sflag:s17] =	ssyncset.done $0x0  }
0xf7: {  	[sflag:s17] =	ssyncadd.s32 $0xFFFFFB80  }
0xf8: {  	_ =	swait.ge [sflag:s17], $0x800  }
0xf9: {  	[sflag:s17] =	ssyncset.done $0x0  }
0xfa: {  	[sflag:s17] =	ssyncadd.s32 $0xFFFFF800  }
0xfb: {  	_ =	swait.ge [sflag:s17], $0x480  }
0xfc: {  	[sflag:s17] =	ssyncset.done $0x0  }
0xfd: {  	[sflag:s17] =	ssyncadd.s32 $0xFFFFFB80  }
0xfe: {  	[hbm4b:s20+s18] =	stream.strided.scatter [tilespmem:s9], [sflag:$0x2], $0x3200, s8, s18, $0x38;
	[tilespmem:$0xC800] =	vst v63  }
0xff: {  	_ =	swait.ge [sflag:s7], $0x3200  }
0x100: {  	[sflag:s7] =	ssyncset.done $0x0  }
0x101: {  	[sflag:s7] =	ssyncadd.s32 $0xFFFFCE00  }
0x102: {  	_ =	swait.ge [sflag:s17], $0x800  }
0x103: {  	[sflag:s17] =	ssyncset.done $0x0  }
0x104: {  	[sflag:s17] =	ssyncadd.s32 $0xFFFFF800  }
0x105: {  	_ =	swait.ge [sflag:s17], $0x480  }
0x106: {  	[sflag:s17] =	ssyncset.done $0x0  }
0x107: {  	[sflag:s17] =	ssyncadd.s32 $0xFFFFFB80  }
0x108: {  	_ =	swait.ge [sflag:s17], $0x800  }
0x109: {  	[sflag:s17] =	ssyncset.done $0x0  }
0x10a: {  	[sflag:s17] =	ssyncadd.s32 $0xFFFFF800  }
0x10b: {  	_ =	swait.ge [sflag:s17], $0x480  }
0x10c: {  	[sflag:s17] =	ssyncset.done $0x0  }
0x10d: {  	[sflag:s17] =	ssyncadd.s32 $0xFFFFFB80  }
0x10e: {  	_ =	swait.ge [sflag:s17], $0x800  }
0x10f: {  	[sflag:s17] =	ssyncset.done $0x0  }
0x110: {  	[sflag:s17] =	ssyncadd.s32 $0xFFFFF800  }
0x111: {  	_ =	swait.ge [sflag:s17], $0x480  }
0x112: {  	[sflag:s17] =	ssyncset.done $0x0  }
0x113: {  	[sflag:s17] =	ssyncadd.s32 $0xFFFFFB80  }
0x114: {  	_ =	swait.ge [sflag:s17], $0x800  }
0x115: {  	[sflag:s17] =	ssyncset.done $0x0  }
0x116: {  	[sflag:s17] =	ssyncadd.s32 $0xFFFFF800  }
0x117: {  	s19 =	sadd.s32 $0x1, s19;
	_ =	swait.ge [sflag:s17], $0x480  }
0x118: {  	p0 =	sne.s32 s19, s5;
	[sflag:s17] =	ssyncset.done $0x0  }
.Ltmp1:
0x119: {  	s31 =	sadd.s32 $0x3200, s20;
	[sflag:s17] =	ssyncadd.s32 $0xFFFFFB80;
	(pc) =	sbr.rel @p0 .LBB2_1-.Ltmp1, $4  }
0x11a: {  	[hbm4b:s31+s18] =	stream.strided.scatter [tilespmem:s11], [sflag:$0x2], $0x3200, s8, s18, $0x38;
	[tilespmem:$0xC800] =	vst v63  }
0x11b: {  	_ =	swait.ge [sflag:s7], $0x3200  }
0x11c: {  	[sflag:s7] =	ssyncset.done $0x0  }
0x11d: {  	[sflag:s7] =	ssyncadd.s32 $0xFFFFCE00  }
0x11e: {  	_ =	sfence.sel $0x180000  }
0x11f: {  	[bflag:$0x0] =	sbarrier.arrive $0xFFFF  }
0x120: {  	p0 =	sne.s32 s1, $0x0;
	_ =	strace $0x9000004A  }
0x121: {  	s0 =	sadd.s32 @!p0 $0x100000, s0;
	[bflag:$0x2] =	sbarrier.arrive $0xFFFF  }
0x122: {  	[sflag:s0] =	ssyncadd.tile.s32 @!p0 $0x1;
	_ =	shalt  }
.Lfunc_end2:
_tile_overlayer_lowered:
.L_overlay_start_2:
0x123: {  	(tag) =	ssettag $0x2  }
0x124: {  	s0 =	rddreg [dreg:$0x0];
	s2 =	stileid.u32  }
0x125: {  	s1 =	rddreg [dreg:$0x1];
	p0 =	sne.s32 s2, $0x0  }
0x126: {  	s3 =	rddreg [dreg:$0x2];
	[bflag:$0x3] =	sbarrier.arrive $0xFFFF;
	s2 =	simm.s32 @!p0 $0x1C02  }
0x127: {  	[timem:s3], [sflag:s2] =	dma.local @!p0 [hbm:s0], s1  }
0x128: {  	s0 =	simm.s32 @!p0 $0x2  }
0x129: {  	_ =	swait.ge @!p0 [sflag:s0], s1  }
0x12a: {  	s1 =	ssub.s32 @!p0 $0x0, s1;
	[sflag:s0] =	ssyncset.done @!p0 $0x0  }
0x12b: {  	[sflag:s0] =	ssyncadd.s32 @!p0 s1  }
0x12c: {  	[bflag:$0x3] =	sbarrier.arrive $0xFFFF  }
0x12d: {  	_ =	shalt  }

// kernel: sparse-core-data-format-call.1.cloned.1.call-start
scs
called_computation.1_lowered:
.L_overlay_start_0:
0x0: {  	s2 =	sld [smem:$0x3FD9]  }
0x1: {  	s3 =	sld [smem:$0x3FFE];
	_ =	sdelay $0x1  }
0x2: {  	s1 =	srdreg.scid  }
0x3: {  	s0 =	sand.u32 $0x1, s1  }
0x4: {  	s16 =	sshll.u32 s0, $0xA;
	s2 =	sadd.s32 s3, s2  }
0x5: {  	s2 =	sadd.s32 s2, s16  }
0x6: {  	[smem:$0x3FC5] =	sst s2  }
0x7: {  	_ = 	snop  }
0x8: {  	s2 =	sld [smem:$0x3FD0];
	_ =	sdelay $0x2  }
0x9: {  	s17 =	simm.s32 $0xB;
	s4 =	simm.s32 $0x10  }
0xa: {  	[smem:s4], [sflag:s17] =	dma.local [hbm:s2], $0x1  }
0xb: {  	_ =	swait.eq [sflag:s17], $0x1  }
0xc: {  	[sflag:s17] =	ssyncset.done $0x0  }
0xd: {  	[sflag:s17] =	ssyncadd.s32 $0xFFFFFFFF  }
0xe: {  	s18 =	sld [smem:$0x10];
	(tm) =	ssettm $0x1  }
0xf: {  	s19 =	sld [smem:$0x3FFB];
	_ =	sdelay $0x3  }
0x10: {  	_ =	strace s19  }
0x11: {  	s2 =	sld [smem:$0x3FFC];
	_ =	sdelay $0x3  }
0x12: {  	_ =	strace s2  }
0x13: {  	s2 =	sld [smem:$0x3FFD];
	_ =	sdelay $0x3  }
0x14: {  	_ =	strace s2  }
0x15: {  	_ =	strace $0x8FFFFFFF  }
0x16: {  	s20 =	sld [smem:$0x3FDB];
	_ =	sdelay $0x1  }
0x17: {  	s21 =	simm.s32 $_scs_section_size  }
0x18: {  	s5 =	simm.s32 $_size__tile_overlayer_lowered;
	s6 =	simm.s32 $_tile_overlayer_lowered  }
0x19: {  	s7 =	simm.s32 $0x1BFF;
	s22 =	sshll.u32 s6, $0x1;
	s4 =	sadd.s32 s21, s20  }
0x1a: {  	s23 =	simm.s32 $0x0;
	s5 =	sshll.u32 s5, $0x1;
	s6 =	sadd.s32 s22, s4  }
0x1b: {  	[timem:s23], [sflag:s7] =	dma.local [hbm:s6], s5  }
0x1c: {  	_ =	swait.ge [sflag:s7], s5  }
0x1d: {  	s5 =	ssub.s32 $0x0, s5;
	[sflag:s7] =	ssyncset.done $0x0  }
0x1e: {  	[sflag:s7] =	ssyncadd.s32 s5;
	_ =	sdelay $0x1  }
0x1f: {  	s24 =	simm.s32 $0x1B8B  }
0x20: {  	_ =	swait.ge [sflag:s24], $0x1  }
0x21: {  	[sflag:s24] =	ssyncset.done $0x0  }
0x22: {  	[sflag:s24] =	ssyncadd.s32 $0xFFFFFFFF  }
0x23: {  	s5 =	sld [smem:$0x0]  }
0x24: {  	s6 =	sand.u32 $0xFFFFFFFE, s1  }
0x25: {  	p0 =	sne.s32 s1, s6  }
0x26: {  	s6 =	sshll.u32 @p0 s6, $0xE  }
0x27: {  	s6 =	sadd.s32 @p0 $0x11B8D, s6;
	s7 =	sshll.u32 @p0 s5, $0x11  }
0x28: {  	s6 =	sor.u32 @p0 s7, s6  }
0x29: {  	[sflag:s6] =	ssyncadd.remote.s32 @p0 $0x1;
	_ =	sdelay $0x1  }
0x2a: {  	s6 =	simm.s32 @p0 $0x1B8D  }
0x2b: {  	_ =	swait.eq @p0 [sflag:s6], $0x1  }
0x2c: {  	[sflag:s6] =	ssyncadd.s32 @p0 $0xFFFFFFFF  }
0x2d: {  	s7 =	sshll.u32 @!p0 s1, $0xE  }
0x2e: {  	s7 =	sor.u32 @!p0 $0x4000, s7;
	s6 =	simm.s32 @!p0 $0x1B8D  }
0x2f: {  	s5 =	sshll.u32 @!p0 s5, $0x11;
	s7 =	sadd.s32 @!p0 $0x11B8D, s7;
	_ =	swait.eq @!p0 [sflag:s6], $0x1  }
0x30: {  	s5 =	sor.u32 @!p0 s5, s7;
	[sflag:s6] =	ssyncadd.s32 @!p0 $0xFFFFFFFF  }
0x31: {  	s26 =	simm.s32 $0x1B8E;
	s25 =	sld [smem:$0x3FFE];
	[sflag:s5] =	ssyncadd.remote.s32 @!p0 $0x1  }
0x32: {  	s27 =	simm.s32 $execute0_lowered;
	[smem:$0x3FD2] =	sst s26  }
0x33: {  	s6 =	sshll.u32 s27, $0x1;
	_ =	strace $0x8000004C;
	[dreg:$0x1] =	wrdreg $0xFFFFFFFF  }
0x34: {  	s28 =	simm.s32 $_size_execute0_lowered;
	s4 =	sadd.s32 s4, s6;
	[dreg:$0x0] =	wrdreg $0x0  }
0x35: {  	s6 =	sshll.u32 s28, $0x1;
	[dreg:$0x2] =	wrdreg s4  }
0x36: {  	[dreg:$0x3] =	wrdreg s6  }
0x37: {  	[dreg:$0x4] =	wrdreg $0xC0  }
0x38: {  	_ =	task [dreg:s23], $0x5FFFF  }
0x39: {  	[dreg:$0x1] =	wrdreg $0xFFFFFFFF  }
0x3a: {  	[dreg:$0x0] =	wrdreg $0x60  }
0x3b: {  	[dreg:$0x2] =	wrdreg s25  }
0x3c: {  	[dreg:$0x3] =	wrdreg s18  }
0x3d: {  	[dreg:$0x4] =	wrdreg $0x9  }
0x3e: {  	_ =	task.clear_ibuf [dreg:s23], $0x5FFFF;
	_ =	strace $0x9000004C  }
0x3f: {  	s29 =	simm.s32 $0x9;
	_ =	strace $0x8000004E  }
0x40: {  	_ =	swait.ge [sflag:s29], $0x1  }
0x41: {  	[sflag:s29] =	ssyncadd.s32 $0xFFFFFFFF  }
0x42: {  	_ =	strace $0x9000004E  }
0x43: {  	_ =	sfence  }
0x44: {  	s30 =	sld [smem:$0x0];
	_ =	sdelay $0x2  }
0x45: {  	s31 =	sshll.u32 s1, $0xD;
	s1 =	sshrl.u32 s1, $0x2  }
0x46: {  	s4 =	sand.u32 $0x4000, s31;
	s1 =	sadd.s32 s1, s30  }
0x47: {  	s0 =	sor.u32 s4, s0;
	s1 =	sshll.u32 s1, $0x11  }
0x48: {  	s0 =	sor.u32 s1, s0  }
0x49: {  	s0 =	sadd.s32 $0x8F2B, s0  }
0x4a: {  	[sflag:s0] =	ssyncadd.remote.s32 $0x1  }
0x4b: {  	_ =	sfence.sel $0xFFFF  }
0x4c: {  	[dreg:$0x0] =	wrdreg $0xFFFFFFFF;
	(pc) =	sbr.abs _section_cstart, $3  }
0x4d: {  	[dreg:$0x1] =	wrdreg $0xFFFFFFFF  }
0x4e: {  	_ =	task.clear_ibuf [dreg:s23], $0x2FFFF;
	_ =	strace $0x9FFFFFFF  }
0x4f: {  	(tm) =	ssettm $0x7FFFFFFF  }
tec
execute0_lowered:
.L_overlay_start_1:
0x0: {  	(tag) =	ssettag $0x1  }
0x1: {  	s0 =	srdreg.scid  }
0x2: {  	s1 =	sshll.u32 s0, $0x4  }
0x3: {  	s0 =	stileid.u32;
	s1 =	sand.u32 $0x10, s1  }
0x4: {  	s1 =	sor.u32 s0, s1  }
0x5: {  	s6 =	rddreg [dreg:$0x0];
	s4 =	simm.s32 $0x1;
	s2 =	sshll.u32 s1, $0x7  }
0x6: {  	s7 =	simm.s32 $0x2;
	s12 =	simm.s32 $0x0;
	s1 =	ssub.s32 $0x1000, s2  }
0x7: {  	s8 =	simm.s32 $0x8000;
	s13 =	simm.s32 $0x0;
	s3 =	sand.u32 $0xF80, s1  }
0x8: {  	s9 =	simm.s32 $0x0;
	s5 =	sshrl.u32 s1, $0xC;
	p0 =	sne.s32 s3, $0x0  }
.Ltmp0:
0x9: {  	s1 =	rddreg [dreg:$0x2];
	s4 =	simm.s32 @!p0 $0x0;
	(pc) =	sbr.rel .LBB1_1-.Ltmp0, $4  }
0xa: {  	s11 =	simm.s32 $0x0;
	s3 =	rddreg [dreg:$0x1];
	s5 =	sadd.s32 s4, s5  }
0xb: {  	_ =	strace $0x8000004D;
	s4 =	simm.s32 $0x1;
	s5 =	smul.u32 $0xC8, s5  }
0xc: {  	s6 =	sadd.s32 $0x1000, s6;
	s10 =	smov.u32 s2;
	[sflag:s4] =	ssyncpa.u1 $0x0  }
0xd: {  	p0 =	por $0x0, $0x0;
	[sflag:s7] =	ssyncpa.u1 $0x0;
	s7 =	sor.u32 $0x1, s5  }
.LBB1_4:
0xe: {  	s16 =	sshll.u32 s13, $0x3;
	s17 =	sand.u32 $0x78, s13  }
0xf: {  	s30 =	sand.u32 $0x1E00, s13;
	s12 =	sshll.u32 s12, $0xD;
	s16 =	sand.u32 $0xC00, s16  }
0x10: {  	s31 =	sand.u32 $0x7, s13;
	s16 =	sor.u32 s17, s16;
	s17 =	sadd.s32 s3, s30  }
0x11: {  	s13 =	sshll.u32 s31, $0x12;
	s16 =	sshrl.u32 s16, $0x3;
	s12 =	sadd.s32 s12, s17  }
0x12: {  	[tilespmem:s15+$0x0 ss:$0x81] =	vst.msk $0xffff, v1;
	s13 =	sor.u32 $0x400, s13;
	s12 =	sadd.s32 s16, s12  }
0x13: {  	[hbm4b:s12+s13] =	stream.strided.scatter [tilespmem:s14], [sflag:$0x2], $0x800, s8, s13, $0x20;
	[tilespmem:$0x2020] =	vst v63  }
.LBB1_5:
0x14: {  	s14 =	sadd.s32 $0x1, s9  }
0x15: {  	s12 =	sadd.s32 $0x1000, s10;
	s16 =	smov.u32 s10;
	p2 =	sgt.s32 s14, $0xC7  }
0x16: {  	s16 =	smov.u32 @p2 s12  }
0x17: {  	s14 =	simm.s32 @p2 $0x0;
	p2 =	sgt.s32 s16, $0xFFF  }
0x18: {  	s16 =	smov.u32 @p2 s2;
	p2 =	sne.s32 s11, s7  }
.Ltmp1:
0x19: {  	p1 =	slt.u32 s11, $0x2;
	(pc) =	sbr.rel @!p2 .LBB1_6-.Ltmp1, $4  }
0x1a: {  	s15 =	simm.s32 @!p1 $0x2  }
0x1b: {  	s13 =	smov.u32 s10;
	p0 =	por !p0, !p0;
	_ =	swait.ge @!p1 [sflag:s15], $0x800  }
0x1c: {  	s12 =	smov.u32 s9;
	[sflag:s15] =	ssyncset.done @!p1 $0x0;
	s9 =	smov.u32 s14  }
0x1d: {  	s11 =	sadd.s32 $0x1, s11;
	[sflag:s15] =	ssyncadd.s32 @!p1 $0xFFFFF800;
	s10 =	smov.u32 s16  }
.LBB1_1:
0x1e: {  	p1 =	sge.u32 s11, s5  }
0x1f: {  	s14 =	sand.u32 @!p1 $0x1FFFFFF, s9  }
0x20: {  	s15 =	smulhi.u32 @!p1 $0x147AE15, s14;
	_ =	sdelay $0x1  }
0x21: {  	s15 =	smul.u32 @!p1 $0xC8, s15  }
0x22: {  	s16 =	sxor.u32 @!p1 $0xFFFFFFFF, s11;
	s17 =	smul.u32 @!p1 $0xC80, s10  }
0x23: {  	s31 =	sadd.s32 $0xFFFFFFFF, s11;
	s16 =	sshll.u32 @!p1 s16, $0xB;
	s14 =	ssub.s32 @!p1 s14, s15  }
0x24: {  	s15 =	sand.u32 @!p1 $0x800, s16;
	s16 =	sadd.s32 @!p1 s6, s17;
	s14 =	sshll.u32 @!p1 s14, $0x4  }
0x25: {  	s17 =	simm.s32 @!p1 $0x6400;
	s14 =	sadd.s32 @!p1 s14, s16;
	s16 =	simm.s32 @!p1 $0x10  }
0x26: {  	[tilespmem:s15], [sflag:$0x1] =	stream.strided.gather @!p1 [hbm4b:s14+s16], $0x800, s17, s16, $0x38;
	[tilespmem:$0x2020] =	vst v63  }
0x27: {  	p1 =	sge.u32 s31, s5  }
.Ltmp2:
0x28: {  	_ = 	snop;
	(pc) =	sbr.rel @p1 .LBB1_5-.Ltmp2, $1  }
0x29: {  	_ =	sdelay $0x3  }
0x2a: {  	s14 =	simm.s32 $0x1  }
0x2b: {  	s14 =	simm.s32 @!p0 $0x0  }
0x2c: {  	s15 =	sshll.u32 s14, $0xB  }
0x2d: {  	v0 =	vmov s15;
	_ =	sdelay $0x1  }
0x2e: {  	_ =	swait.ge [sflag:s4], $0x800  }
0x2f: {  	s31 =	sand.u32 $0x1, s11;
	[sflag:s4] =	ssyncset.done $0x0  }
0x30: {  	s17 =	simm.s32 $0x0;
	s14 =	smul.u32 $0x2040, s14;
	[sflag:s4] =	ssyncadd.s32 $0xFFFFF800  }
0x31: {  	s15 =	smul.u32 $0x2040, s31;
	v1 =	vld.idx.msk [tilespmem:v0+s17+$0x0 ss:$0x1], $0xffff;
	_ =	sdelay $0x1  }
0x32: {  	s14 =	sshrl.u32 s14, $0x2;
	s16 =	sshrl.u32 s15, $0x2  }
0x33: {  	s15 =	sor.u32 $0x1000, s14;
	s14 =	sor.u32 $0x1000, s16;
	s16 =	simm.s32 $0x40  }
.LBB1_3:
0x34: {  	s17 =	sshra.s32 s16, $0x2;
	p1 =	sne.s32 s16, $0x1FC0;
	s16 =	sadd.s32 $0x40, s16  }
.Ltmp3:
0x35: {  	[tilespmem:s15+$0x0 ss:$0x81] =	vst.msk $0xffff, v1;
	v1 =	vld.idx.msk [tilespmem:v0+s17+$0x0 ss:$0x1], $0xffff;
	(pc) =	sbr.rel @p1 .LBB1_3-.Ltmp3, $2  }
0x36: {  	_ =	sdelay $0x2  }
0x37: {  	s15 =	sadd.s32 $0x1, s15  }
.Ltmp4:
0x38: {  	_ = 	snop;
	(pc) =	sbr.rel .LBB1_4-.Ltmp4, $1  }
0x39: {  	_ =	sdelay $0x3  }
.LBB1_6:
0x3a: {  	_ =	sfence.sel $0x180000  }
0x3b: {  	s2 =	simm.s32 $0x1;
	[bflag:$0x0] =	sbarrier.arrive $0xFFFF  }
0x3c: {  	s31 =	simm.s32 $0x2;
	[sflag:s2] =	ssyncpa.u1 $0x1  }
0x3d: {  	[sflag:s31] =	ssyncpa.u1 $0x1  }
0x3e: {  	p0 =	sne.s32 s0, $0x0;
	_ =	strace $0x9000004D  }
0x3f: {  	s0 =	sadd.s32 @!p0 $0x100000, s1;
	[bflag:$0x2] =	sbarrier.arrive $0xFFFF  }
0x40: {  	[sflag:s0] =	ssyncadd.tile.s32 @!p0 $0x1;
	_ =	shalt  }
.Lfunc_end1:
_tile_overlayer_lowered:
.L_overlay_start_2:
0x41: {  	(tag) =	ssettag $0x2  }
0x42: {  	s0 =	rddreg [dreg:$0x0];
	s2 =	stileid.u32  }
0x43: {  	s1 =	rddreg [dreg:$0x1];
	p0 =	sne.s32 s2, $0x0  }
0x44: {  	s3 =	rddreg [dreg:$0x2];
	[bflag:$0x3] =	sbarrier.arrive $0xFFFF;
	s2 =	simm.s32 @!p0 $0x1C01  }
0x45: {  	[timem:s3], [sflag:s2] =	dma.local @!p0 [hbm:s0], s1  }
0x46: {  	s0 =	simm.s32 @!p0 $0x1  }
0x47: {  	_ =	swait.ge @!p0 [sflag:s0], s1  }
0x48: {  	s1 =	ssub.s32 @!p0 $0x0, s1;
	[sflag:s0] =	ssyncset.done @!p0 $0x0  }
0x49: {  	[sflag:s0] =	ssyncadd.s32 @!p0 s1  }
0x4a: {  	[bflag:$0x3] =	sbarrier.arrive $0xFFFF  }
0x4b: {  	_ =	shalt  }

// kernel: sparse-core-data-format-call.cloned.1.call-start
scs
called_computation_lowered:
.L_overlay_start_0:
0x0: {  	s2 =	sld [smem:$0x3FD9]  }
0x1: {  	s3 =	sld [smem:$0x3FFE];
	_ =	sdelay $0x1  }
0x2: {  	s1 =	srdreg.scid  }
0x3: {  	s0 =	sand.u32 $0x1, s1  }
0x4: {  	s16 =	sshll.u32 s0, $0xA;
	s2 =	sadd.s32 s3, s2  }
0x5: {  	s2 =	sadd.s32 s2, s16  }
0x6: {  	[smem:$0x3FC5] =	sst s2  }
0x7: {  	_ = 	snop  }
0x8: {  	s2 =	sld [smem:$0x3FD0];
	_ =	sdelay $0x2  }
0x9: {  	s17 =	simm.s32 $0xB;
	s4 =	simm.s32 $0x10  }
0xa: {  	[smem:s4], [sflag:s17] =	dma.local [hbm:s2], $0x1  }
0xb: {  	_ =	swait.eq [sflag:s17], $0x1  }
0xc: {  	[sflag:s17] =	ssyncset.done $0x0  }
0xd: {  	[sflag:s17] =	ssyncadd.s32 $0xFFFFFFFF  }
0xe: {  	s18 =	sld [smem:$0x12];
	(tm) =	ssettm $0x1  }
0xf: {  	s19 =	sld [smem:$0x3FFB];
	_ =	sdelay $0x3  }
0x10: {  	_ =	strace s19  }
0x11: {  	s2 =	sld [smem:$0x3FFC];
	_ =	sdelay $0x3  }
0x12: {  	_ =	strace s2  }
0x13: {  	s2 =	sld [smem:$0x3FFD];
	_ =	sdelay $0x3  }
0x14: {  	_ =	strace s2  }
0x15: {  	_ =	strace $0x8FFFFFFF  }
0x16: {  	s20 =	sld [smem:$0x3FDB];
	_ =	sdelay $0x1  }
0x17: {  	s21 =	simm.s32 $_scs_section_size  }
0x18: {  	s5 =	simm.s32 $_size__tile_overlayer_lowered;
	s6 =	simm.s32 $_tile_overlayer_lowered  }
0x19: {  	s7 =	simm.s32 $0x1BFF;
	s22 =	sshll.u32 s6, $0x1;
	s4 =	sadd.s32 s21, s20  }
0x1a: {  	s23 =	simm.s32 $0x0;
	s5 =	sshll.u32 s5, $0x1;
	s6 =	sadd.s32 s22, s4  }
0x1b: {  	[timem:s23], [sflag:s7] =	dma.local [hbm:s6], s5  }
0x1c: {  	_ =	swait.ge [sflag:s7], s5  }
0x1d: {  	s5 =	ssub.s32 $0x0, s5;
	[sflag:s7] =	ssyncset.done $0x0  }
0x1e: {  	[sflag:s7] =	ssyncadd.s32 s5;
	_ =	sdelay $0x1  }
0x1f: {  	s24 =	simm.s32 $0x1B8B  }
0x20: {  	_ =	swait.ge [sflag:s24], $0x1  }
0x21: {  	[sflag:s24] =	ssyncset.done $0x0  }
0x22: {  	[sflag:s24] =	ssyncadd.s32 $0xFFFFFFFF  }
0x23: {  	s5 =	sld [smem:$0x0]  }
0x24: {  	s6 =	sand.u32 $0xFFFFFFFE, s1  }
0x25: {  	p0 =	sne.s32 s1, s6  }
0x26: {  	s6 =	sshll.u32 @p0 s6, $0xE  }
0x27: {  	s6 =	sadd.s32 @p0 $0x11B8D, s6;
	s7 =	sshll.u32 @p0 s5, $0x11  }
0x28: {  	s6 =	sor.u32 @p0 s7, s6  }
0x29: {  	[sflag:s6] =	ssyncadd.remote.s32 @p0 $0x1;
	_ =	sdelay $0x1  }
0x2a: {  	s6 =	simm.s32 @p0 $0x1B8D  }
0x2b: {  	_ =	swait.eq @p0 [sflag:s6], $0x1  }
0x2c: {  	[sflag:s6] =	ssyncadd.s32 @p0 $0xFFFFFFFF  }
0x2d: {  	s7 =	sshll.u32 @!p0 s1, $0xE  }
0x2e: {  	s7 =	sor.u32 @!p0 $0x4000, s7;
	s6 =	simm.s32 @!p0 $0x1B8D  }
0x2f: {  	s5 =	sshll.u32 @!p0 s5, $0x11;
	s7 =	sadd.s32 @!p0 $0x11B8D, s7;
	_ =	swait.eq @!p0 [sflag:s6], $0x1  }
0x30: {  	s5 =	sor.u32 @!p0 s5, s7;
	[sflag:s6] =	ssyncadd.s32 @!p0 $0xFFFFFFFF  }
0x31: {  	s26 =	simm.s32 $0x1B8E;
	s25 =	sld [smem:$0x3FFE];
	[sflag:s5] =	ssyncadd.remote.s32 @!p0 $0x1  }
0x32: {  	s27 =	simm.s32 $execute0_lowered;
	[smem:$0x3FD2] =	sst s26  }
0x33: {  	s6 =	sshll.u32 s27, $0x1;
	_ =	strace $0x8000004F;
	[dreg:$0x1] =	wrdreg $0xFFFFFFFF  }
0x34: {  	s28 =	simm.s32 $_size_execute0_lowered;
	s4 =	sadd.s32 s4, s6;
	[dreg:$0x0] =	wrdreg $0x0  }
0x35: {  	s6 =	sshll.u32 s28, $0x1;
	[dreg:$0x2] =	wrdreg s4  }
0x36: {  	[dreg:$0x3] =	wrdreg s6  }
0x37: {  	[dreg:$0x4] =	wrdreg $0xC0  }
0x38: {  	_ =	task [dreg:s23], $0x5FFFF  }
0x39: {  	[dreg:$0x1] =	wrdreg $0xFFFFFFFF  }
0x3a: {  	[dreg:$0x0] =	wrdreg $0x60  }
0x3b: {  	[dreg:$0x2] =	wrdreg s25  }
0x3c: {  	[dreg:$0x3] =	wrdreg s18  }
0x3d: {  	[dreg:$0x4] =	wrdreg $0xA  }
0x3e: {  	_ =	task.clear_ibuf [dreg:s23], $0x5FFFF;
	_ =	strace $0x9000004F  }
0x3f: {  	s29 =	simm.s32 $0xA;
	_ =	strace $0x80000051  }
0x40: {  	_ =	swait.ge [sflag:s29], $0x1  }
0x41: {  	[sflag:s29] =	ssyncadd.s32 $0xFFFFFFFF  }
0x42: {  	_ =	strace $0x90000051  }
0x43: {  	_ =	sfence  }
0x44: {  	s30 =	sld [smem:$0x0];
	_ =	sdelay $0x2  }
0x45: {  	s31 =	sshll.u32 s1, $0xD;
	s1 =	sshrl.u32 s1, $0x2  }
0x46: {  	s4 =	sand.u32 $0x4000, s31;
	s1 =	sadd.s32 s1, s30  }
0x47: {  	s0 =	sor.u32 s4, s0;
	s1 =	sshll.u32 s1, $0x11  }
0x48: {  	s0 =	sor.u32 s1, s0  }
0x49: {  	s0 =	sadd.s32 $0x8F2B, s0  }
0x4a: {  	[sflag:s0] =	ssyncadd.remote.s32 $0x1  }
0x4b: {  	_ =	sfence.sel $0xFFFF  }
0x4c: {  	[dreg:$0x0] =	wrdreg $0xFFFFFFFF;
	(pc) =	sbr.abs _section_cstart, $3  }
0x4d: {  	[dreg:$0x1] =	wrdreg $0xFFFFFFFF  }
0x4e: {  	_ =	task.clear_ibuf [dreg:s23], $0x2FFFF;
	_ =	strace $0x9FFFFFFF  }
0x4f: {  	(tm) =	ssettm $0x7FFFFFFF  }
tec
execute0_lowered:
.L_overlay_start_1:
0x0: {  	(tag) =	ssettag $0x1  }
0x1: {  	s0 =	srdreg.scid  }
0x2: {  	s1 =	sshll.u32 s0, $0x4  }
0x3: {  	s0 =	stileid.u32;
	s1 =	sand.u32 $0x10, s1  }
0x4: {  	s1 =	sor.u32 s0, s1  }
0x5: {  	s6 =	rddreg [dreg:$0x0];
	s4 =	simm.s32 $0x1;
	s2 =	sshll.u32 s1, $0x7  }
0x6: {  	s7 =	simm.s32 $0x2;
	s12 =	simm.s32 $0x0;
	s1 =	ssub.s32 $0x1000, s2  }
0x7: {  	s8 =	simm.s32 $0x8000;
	s13 =	simm.s32 $0x0;
	s3 =	sand.u32 $0xF80, s1  }
0x8: {  	s9 =	simm.s32 $0x0;
	s5 =	sshrl.u32 s1, $0xC;
	p0 =	sne.s32 s3, $0x0  }
.Ltmp0:
0x9: {  	s1 =	rddreg [dreg:$0x2];
	s4 =	simm.s32 @!p0 $0x0;
	(pc) =	sbr.rel .LBB1_1-.Ltmp0, $4  }
0xa: {  	s11 =	simm.s32 $0x0;
	s3 =	rddreg [dreg:$0x1];
	s5 =	sadd.s32 s4, s5  }
0xb: {  	_ =	strace $0x80000050;
	s4 =	simm.s32 $0x1;
	s5 =	smul.u32 $0xC8, s5  }
0xc: {  	s6 =	sadd.s32 $0x112BA00, s6;
	s10 =	smov.u32 s2;
	[sflag:s4] =	ssyncpa.u1 $0x0  }
0xd: {  	p0 =	por $0x0, $0x0;
	[sflag:s7] =	ssyncpa.u1 $0x0;
	s7 =	sor.u32 $0x1, s5  }
.LBB1_4:
0xe: {  	s16 =	sshll.u32 s13, $0x3;
	s17 =	sand.u32 $0x78, s13  }
0xf: {  	s30 =	sand.u32 $0x1E00, s13;
	s12 =	sshll.u32 s12, $0xD;
	s16 =	sand.u32 $0xC00, s16  }
0x10: {  	s31 =	sand.u32 $0x7, s13;
	s16 =	sor.u32 s17, s16;
	s17 =	sadd.s32 s3, s30  }
0x11: {  	s13 =	sshll.u32 s31, $0x12;
	s16 =	sshrl.u32 s16, $0x3;
	s12 =	sadd.s32 s12, s17  }
0x12: {  	[tilespmem:s15+$0x0 ss:$0x81] =	vst.msk $0xffff, v1;
	s13 =	sor.u32 $0x400, s13;
	s12 =	sadd.s32 s16, s12  }
0x13: {  	[hbm4b:s12+s13] =	stream.strided.scatter [tilespmem:s14], [sflag:$0x2], $0x800, s8, s13, $0x20;
	[tilespmem:$0x2020] =	vst v63  }
.LBB1_5:
0x14: {  	s14 =	sadd.s32 $0x1, s9  }
0x15: {  	s12 =	sadd.s32 $0x1000, s10;
	s16 =	smov.u32 s10;
	p2 =	sgt.s32 s14, $0xC7  }
0x16: {  	s16 =	smov.u32 @p2 s12  }
0x17: {  	s14 =	simm.s32 @p2 $0x0;
	p2 =	sgt.s32 s16, $0xFFF  }
0x18: {  	s16 =	smov.u32 @p2 s2;
	p2 =	sne.s32 s11, s7  }
.Ltmp1:
0x19: {  	p1 =	slt.u32 s11, $0x2;
	(pc) =	sbr.rel @!p2 .LBB1_6-.Ltmp1, $4  }
0x1a: {  	s15 =	simm.s32 @!p1 $0x2  }
0x1b: {  	s13 =	smov.u32 s10;
	p0 =	por !p0, !p0;
	_ =	swait.ge @!p1 [sflag:s15], $0x800  }
0x1c: {  	s12 =	smov.u32 s9;
	[sflag:s15] =	ssyncset.done @!p1 $0x0;
	s9 =	smov.u32 s14  }
0x1d: {  	s11 =	sadd.s32 $0x1, s11;
	[sflag:s15] =	ssyncadd.s32 @!p1 $0xFFFFF800;
	s10 =	smov.u32 s16  }
.LBB1_1:
0x1e: {  	p1 =	sge.u32 s11, s5  }
0x1f: {  	s14 =	sand.u32 @!p1 $0x1FFFFFF, s9  }
0x20: {  	s15 =	smulhi.u32 @!p1 $0x147AE15, s14;
	_ =	sdelay $0x1  }
0x21: {  	s15 =	smul.u32 @!p1 $0xC8, s15  }
0x22: {  	s16 =	sxor.u32 @!p1 $0xFFFFFFFF, s11;
	s17 =	smul.u32 @!p1 $0xC80, s10  }
0x23: {  	s31 =	sadd.s32 $0xFFFFFFFF, s11;
	s16 =	sshll.u32 @!p1 s16, $0xB;
	s14 =	ssub.s32 @!p1 s14, s15  }
0x24: {  	s15 =	sand.u32 @!p1 $0x800, s16;
	s16 =	sadd.s32 @!p1 s6, s17;
	s14 =	sshll.u32 @!p1 s14, $0x4  }
0x25: {  	s17 =	simm.s32 @!p1 $0x6400;
	s14 =	sadd.s32 @!p1 s14, s16;
	s16 =	simm.s32 @!p1 $0x10  }
0x26: {  	[tilespmem:s15], [sflag:$0x1] =	stream.strided.gather @!p1 [hbm4b:s14+s16], $0x800, s17, s16, $0x38;
	[tilespmem:$0x2020] =	vst v63  }
0x27: {  	p1 =	sge.u32 s31, s5  }
.Ltmp2:
0x28: {  	_ = 	snop;
	(pc) =	sbr.rel @p1 .LBB1_5-.Ltmp2, $1  }
0x29: {  	_ =	sdelay $0x3  }
0x2a: {  	s14 =	simm.s32 $0x1  }
0x2b: {  	s14 =	simm.s32 @!p0 $0x0  }
0x2c: {  	s15 =	sshll.u32 s14, $0xB  }
0x2d: {  	v0 =	vmov s15;
	_ =	sdelay $0x1  }
0x2e: {  	_ =	swait.ge [sflag:s4], $0x800  }
0x2f: {  	s31 =	sand.u32 $0x1, s11;
	[sflag:s4] =	ssyncset.done $0x0  }
0x30: {  	s17 =	simm.s32 $0x0;
	s14 =	smul.u32 $0x2040, s14;
	[sflag:s4] =	ssyncadd.s32 $0xFFFFF800  }
0x31: {  	s15 =	smul.u32 $0x2040, s31;
	v1 =	vld.idx.msk [tilespmem:v0+s17+$0x0 ss:$0x1], $0xffff;
	_ =	sdelay $0x1  }
0x32: {  	s14 =	sshrl.u32 s14, $0x2;
	s16 =	sshrl.u32 s15, $0x2  }
0x33: {  	s15 =	sor.u32 $0x1000, s14;
	s14 =	sor.u32 $0x1000, s16;
	s16 =	simm.s32 $0x40  }
.LBB1_3:
0x34: {  	s17 =	sshra.s32 s16, $0x2;
	p1 =	sne.s32 s16, $0x1FC0;
	s16 =	sadd.s32 $0x40, s16  }
.Ltmp3:
0x35: {  	[tilespmem:s15+$0x0 ss:$0x81] =	vst.msk $0xffff, v1;
	v1 =	vld.idx.msk [tilespmem:v0+s17+$0x0 ss:$0x1], $0xffff;
	(pc) =	sbr.rel @p1 .LBB1_3-.Ltmp3, $2  }
0x36: {  	_ =	sdelay $0x2  }
0x37: {  	s15 =	sadd.s32 $0x1, s15  }
.Ltmp4:
0x38: {  	_ = 	snop;
	(pc) =	sbr.rel .LBB1_4-.Ltmp4, $1  }
0x39: {  	_ =	sdelay $0x3  }
.LBB1_6:
0x3a: {  	_ =	sfence.sel $0x180000  }
0x3b: {  	s2 =	simm.s32 $0x1;
	[bflag:$0x0] =	sbarrier.arrive $0xFFFF  }
0x3c: {  	s31 =	simm.s32 $0x2;
	[sflag:s2] =	ssyncpa.u1 $0x1  }
0x3d: {  	[sflag:s31] =	ssyncpa.u1 $0x1  }
0x3e: {  	p0 =	sne.s32 s0, $0x0;
	_ =	strace $0x90000050  }
0x3f: {  	s0 =	sadd.s32 @!p0 $0x100000, s1;
	[bflag:$0x2] =	sbarrier.arrive $0xFFFF  }
0x40: {  	[sflag:s0] =	ssyncadd.tile.s32 @!p0 $0x1;
	_ =	shalt  }
.Lfunc_end1:
_tile_overlayer_lowered:
.L_overlay_start_2:
0x41: {  	(tag) =	ssettag $0x2  }
0x42: {  	s0 =	rddreg [dreg:$0x0];
	s2 =	stileid.u32  }
0x43: {  	s1 =	rddreg [dreg:$0x1];
	p0 =	sne.s32 s2, $0x0  }
0x44: {  	s3 =	rddreg [dreg:$0x2];
	[bflag:$0x3] =	sbarrier.arrive $0xFFFF;
	s2 =	simm.s32 @!p0 $0x1C01  }
0x45: {  	[timem:s3], [sflag:s2] =	dma.local @!p0 [hbm:s0], s1  }
0x46: {  	s0 =	simm.s32 @!p0 $0x1  }
0x47: {  	_ =	swait.ge @!p0 [sflag:s0], s1  }
0x48: {  	s1 =	ssub.s32 @!p0 $0x0, s1;
	[sflag:s0] =	ssyncset.done @!p0 $0x0  }
0x49: {  	[sflag:s0] =	ssyncadd.s32 @!p0 s1  }
0x4a: {  	[bflag:$0x3] =	sbarrier.arrive $0xFFFF  }
0x4b: {  	_ =	shalt  }

</sc_bundles>
